<compile_context>
chip_gen: v7x
topology: tpu7x:2x2x1
jax: 0.10.2.dev20260603
libtpu: 0.0.44.dev20260713+nightly
codegen_flags: <defaults>
</compile_context>

<pallas_src>
import jax
import jax.numpy as jnp
from jax import lax
from jax.experimental import pallas as pl
from jax.experimental.pallas import tpu as pltpu
from jax.experimental.pallas import tpu_sc as plsc

_NC = 2
_NS = 16
_NW = _NC * _NS
_L = 16


def _sc_body(table_hbm, idx_hbm, out_hbm, table_v,
             idx_v0, idx_v1, out_v0, out_v1, sem_i0, sem_i1, sem_o0, sem_o1):
    h = idx_v0.shape[0]
    wid = lax.axis_index("s") * _NC + lax.axis_index("c")
    base = wid * (2 * h)
    cp0 = pltpu.async_copy(idx_hbm.at[pl.ds(base, h)], idx_v0, sem_i0)
    cp1 = pltpu.async_copy(idx_hbm.at[pl.ds(base + h, h)], idx_v1, sem_i1)
    pltpu.sync_copy(table_hbm, table_v.at[pl.ds(0, 2)])

    tv = table_v[...]
    dnums = lax.GatherDimensionNumbers(
        offset_dims=(), collapsed_slice_dims=(0,), start_index_map=(0,))

    unroll = 16
    chunk = unroll * _L

    def half(idx_v, out_v):
        def step(i, carry):
            off = i * chunk
            for j in range(unroll):
                o = off + j * _L
                x = idx_v[pl.ds(o, _L)]
                out_v[pl.ds(o, _L)] = lax.gather(
                    tv, x[:, None], dnums, (1,),
                    mode=lax.GatherScatterMode.PROMISE_IN_BOUNDS)
            return carry
        lax.fori_loop(0, h // chunk, step, 0)

    cp0.wait()
    half(idx_v0, out_v0)
    wr0 = pltpu.async_copy(out_v0, out_hbm.at[pl.ds(base, h)], sem_o0)
    cp1.wait()
    half(idx_v1, out_v1)
    wr1 = pltpu.async_copy(out_v1, out_hbm.at[pl.ds(base + h, h)], sem_o1)
    wr0.wait()
    wr1.wait()


def kernel(inputs, table):
    B, S = inputs.shape
    n_total = B * S
    per_w = n_total // _NW
    tr, r, tc, c = S // 8, 8, B // 128, 128
    flat = (inputs.T.astype(jnp.int32)
            .reshape(tr, r, tc, c)
            .transpose(0, 2, 1, 3)
            .reshape(n_total))
    t01 = table.reshape(-1).astype(jnp.float32)
    mesh = plsc.VectorSubcoreMesh(core_axis_name="c", subcore_axis_name="s",
                                  num_cores=_NC, num_subcores=_NS)
    f = pl.kernel(
        _sc_body,
        out_type=jax.ShapeDtypeStruct((n_total,), jnp.float32),
        mesh=mesh,
        scratch_types=[
            pltpu.VMEM((_L,), jnp.float32),
            pltpu.VMEM((per_w // 2,), jnp.int32),
            pltpu.VMEM((per_w // 2,), jnp.int32),
            pltpu.VMEM((per_w // 2,), jnp.float32),
            pltpu.VMEM((per_w // 2,), jnp.float32),
            pltpu.SemaphoreType.DMA,
            pltpu.SemaphoreType.DMA,
            pltpu.SemaphoreType.DMA,
            pltpu.SemaphoreType.DMA,
        ],
    )
    out_flat = f(t01, flat)
    return (out_flat.reshape(tr, tc, r, c)
            .transpose(0, 2, 1, 3)
            .reshape(S, B).T)

# --- scband reference (transcript-rebuilt; emitter-appended) ---
"""Pipeline reference for scband-temporal-27822798143806 (READ-ONLY COPY).

The authoritative reference and input builder live on the scoring server;
editing this copy changes nothing except your own understanding.
"""

import jax, jax.numpy as jnp
import numpy as np

def setup_inputs(seed: int = 0) -> dict:
    key = jax.random.key(seed)
    k1, k2 = jax.random.split(key)
    inputs = jax.random.randint(k1, (16384, 32), 0, 2, dtype=jnp.int64)
    # Keras Embedding default 'uniform' initializer: U(-0.05, 0.05), table shape (input_dim=2, output_dim=1)
    table = jax.random.uniform(k2, (2, 1), dtype=jnp.float32, minval=-0.05, maxval=0.05)
    return {"inputs": inputs, "table": table}

def reference(inputs, table):
    emb = jnp.take(table, inputs, axis=0)  # [B, 32, 1]
    return jnp.squeeze(emb)  # [B, 32]

if __name__ == "__main__":
    import jax
    _d = setup_inputs()
    print(jax.jit(kernel)(*tuple(_d.values())))

</pallas_src>

<mosaic_0001>
#map = affine_map<(d0, d1) -> (0)>
module attributes {stable_mosaic.version = 14 : i64} {
  func.func @_sc_body(%arg0: i32, %arg1: i32, %arg2: memref<2xf32, #tpu.memory_space<hbm>>, %arg3: memref<524288xi32, #tpu.memory_space<hbm>>, %arg4: memref<524288xf32, #tpu.memory_space<hbm>>, %arg5: memref<16xf32, #tpu.memory_space<vmem>>, %arg6: memref<8192xi32, #tpu.memory_space<vmem>>, %arg7: memref<8192xi32, #tpu.memory_space<vmem>>, %arg8: memref<8192xf32, #tpu.memory_space<vmem>>, %arg9: memref<8192xf32, #tpu.memory_space<vmem>>, %arg10: memref<!tpu.dma_semaphore, #tpu.memory_space<semaphore_mem>>, %arg11: memref<!tpu.dma_semaphore, #tpu.memory_space<semaphore_mem>>, %arg12: memref<!tpu.dma_semaphore, #tpu.memory_space<semaphore_mem>>, %arg13: memref<!tpu.dma_semaphore, #tpu.memory_space<semaphore_mem>>) attributes {dimension_semantics = [#tpu.dimension_semantics<core_parallel>, #tpu.dimension_semantics<subcore_parallel>], iteration_bounds = array<i64: 2, 16>, scalar_prefetch = 0 : i64, scratch_operands = 9 : i64, tpu.core_type = #tpu.core_type<sc_vector_subcore>, window_params = [{transform_indices = #map}, {transform_indices = #map}, {transform_indices = #map}]} {
    %mul3A = arith.constant 2 : i32
    %mul3A_0 = arith.muli %arg1, %mul3A : i32
    %add3A = arith.addi %mul3A_0, %arg0 : i32
    %mul3A_1 = arith.constant 16384 : i32
    %mul3A_2 = arith.muli %add3A, %mul3A_1 : i32
    %dma_start3A = tpu.memref_slice %arg3[%mul3A_2] : memref<524288xi32, #tpu.memory_space<hbm>> -> memref<8192xi32, #tpu.memory_space<hbm>>
    %dma_start3A_3 = tpu.memref_slice %arg3[%mul3A_2] : memref<524288xi32, #tpu.memory_space<hbm>> -> memref<8192xi32, #tpu.memory_space<hbm>>
    tpu.enqueue_dma source(%dma_start3A_3 : memref<8192xi32, #tpu.memory_space<hbm>>) target(%arg6 : memref<8192xi32, #tpu.memory_space<vmem>>) target_semaphore(%arg10 : memref<!tpu.dma_semaphore, #tpu.memory_space<semaphore_mem>>)
    %add3A_4 = arith.constant 8192 : i32
    %add3A_5 = arith.addi %mul3A_2, %add3A_4 : i32
    %dma_start3A_6 = tpu.memref_slice %arg3[%add3A_5] : memref<524288xi32, #tpu.memory_space<hbm>> -> memref<8192xi32, #tpu.memory_space<hbm>>
    %dma_start3A_7 = tpu.memref_slice %arg3[%add3A_5] : memref<524288xi32, #tpu.memory_space<hbm>> -> memref<8192xi32, #tpu.memory_space<hbm>>
    tpu.enqueue_dma source(%dma_start3A_7 : memref<8192xi32, #tpu.memory_space<hbm>>) target(%arg7 : memref<8192xi32, #tpu.memory_space<vmem>>) target_semaphore(%arg11 : memref<!tpu.dma_semaphore, #tpu.memory_space<semaphore_mem>>)
    "tpu.region"() ({
      %run_scoped3A = tpu.sem_alloc : memref<!tpu.dma_semaphore, #tpu.memory_space<semaphore_mem>>
      %dma_start3A_34 = arith.constant 0 : i32
      %dma_start3A_35 = tpu.memref_slice %arg5[%dma_start3A_34] : memref<16xf32, #tpu.memory_space<vmem>> -> memref<2xf32, #tpu.memory_space<vmem>>
      %dma_start3A_36 = arith.constant 0 : i32
      %dma_start3A_37 = tpu.memref_slice %arg5[%dma_start3A_36] : memref<16xf32, #tpu.memory_space<vmem>> -> memref<2xf32, #tpu.memory_space<vmem>>
      tpu.enqueue_dma source(%arg2 : memref<2xf32, #tpu.memory_space<hbm>>) target(%dma_start3A_37 : memref<2xf32, #tpu.memory_space<vmem>>) target_semaphore(%run_scoped3A : memref<!tpu.dma_semaphore, #tpu.memory_space<semaphore_mem>>)
      %dma_wait3A_38 = arith.constant 0 : i32
      %dma_wait3A_39 = tpu.memref_slice %arg5[%dma_wait3A_38] : memref<16xf32, #tpu.memory_space<vmem>> -> memref<2xf32, #tpu.memory_space<vmem>>
      %dma_wait3A_40 = arith.constant 0 : i32
      %dma_wait3A_41 = tpu.memref_slice %arg5[%dma_wait3A_40] : memref<16xf32, #tpu.memory_space<vmem>> -> memref<2xf32, #tpu.memory_space<vmem>>
      tpu.wait_dma2 semaphore(%run_scoped3A : memref<!tpu.dma_semaphore, #tpu.memory_space<semaphore_mem>>) src(%arg2 : memref<2xf32, #tpu.memory_space<hbm>>) dst(%dma_wait3A_41 : memref<2xf32, #tpu.memory_space<vmem>>)
      tpu.yield
    }) : () -> ()
    %get3A = arith.constant 0 : index
    %get3A_8 = tpu.vector_load %arg5[%get3A] {strides = array<i32>} : memref<16xf32, #tpu.memory_space<vmem>>, vector<16xf32>,
    %get3A_9 = vector.shape_cast %get3A_8 : vector<16xf32> to vector<16xf32>
    %dma_wait3A = tpu.memref_slice %arg3[%mul3A_2] : memref<524288xi32, #tpu.memory_space<hbm>> -> memref<8192xi32, #tpu.memory_space<hbm>>
    %dma_wait3A_10 = tpu.memref_slice %arg3[%mul3A_2] : memref<524288xi32, #tpu.memory_space<hbm>> -> memref<8192xi32, #tpu.memory_space<hbm>>
    tpu.wait_dma2 semaphore(%arg10 : memref<!tpu.dma_semaphore, #tpu.memory_space<semaphore_mem>>) src(%dma_wait3A_10 : memref<8192xi32, #tpu.memory_space<hbm>>) dst(%arg6 : memref<8192xi32, #tpu.memory_space<vmem>>)
    %scan3A = arith.constant 0 : i32
    %scan3A_11 = arith.constant 0 : i32
    %scan3A_12 = arith.constant 32 : i32
    %scan3A_13 = arith.addi %scan3A_11, %scan3A_12 : i32
    %scan3A_14 = arith.constant 1 : i32
    scf.for %scan3A_34 = %scan3A_11 to %scan3A_13 step %scan3A_14  : i32 {
      %mul3A_35 = arith.constant 256 : i32
      %mul3A_36 = arith.muli %scan3A_34, %mul3A_35 : i32
      %add3A_37 = arith.constant 0 : i32
      %add3A_38 = arith.addi %mul3A_36, %add3A_37 : i32
      %get3A_39 = arith.index_cast %add3A_38 : i32 to index
      %get3A_40 = tpu.vector_load %arg6[%get3A_39] {strides = array<i32>} : memref<8192xi32, #tpu.memory_space<vmem>>, vector<16xi32>,
      %get3A_41 = vector.shape_cast %get3A_40 : vector<16xi32> to vector<16xi32>
      %broadcast_in_dim3A = vector.shape_cast %get3A_41 : vector<16xi32> to vector<16x1xi32>
      %gather3A = vector.shape_cast %broadcast_in_dim3A : vector<16x1xi32> to vector<16xi32>
      %gather3A_42 = tpu.dynamic_gather %get3A_9[%gather3A] in [0] : vector<16xf32>, vector<16xi32> -> vector<16xf32>
      %swap3A = arith.index_cast %add3A_38 : i32 to index
      %swap3A_43 = tpu.vector_load %arg8[%swap3A] {strides = array<i32>} : memref<8192xf32, #tpu.memory_space<vmem>>, vector<16xf32>,
      %swap3A_44 = vector.shape_cast %swap3A_43 : vector<16xf32> to vector<16xf32>
      %swap3A_45 = vector.shape_cast %gather3A_42 : vector<16xf32> to vector<16xf32>
      tpu.vector_store %arg8[%swap3A], %swap3A_45 {strides = array<i32>} : memref<8192xf32, #tpu.memory_space<vmem>>, vector<16xf32>,
      %add3A_46 = arith.constant 16 : i32
      %add3A_47 = arith.addi %mul3A_36, %add3A_46 : i32
      %get3A_48 = arith.index_cast %add3A_47 : i32 to index
      %get3A_49 = tpu.vector_load %arg6[%get3A_48] {strides = array<i32>} : memref<8192xi32, #tpu.memory_space<vmem>>, vector<16xi32>,
      %get3A_50 = vector.shape_cast %get3A_49 : vector<16xi32> to vector<16xi32>
      %broadcast_in_dim3A_51 = vector.shape_cast %get3A_50 : vector<16xi32> to vector<16x1xi32>
      %gather3A_52 = vector.shape_cast %broadcast_in_dim3A_51 : vector<16x1xi32> to vector<16xi32>
      %gather3A_53 = tpu.dynamic_gather %get3A_9[%gather3A_52] in [0] : vector<16xf32>, vector<16xi32> -> vector<16xf32>
      %swap3A_54 = arith.index_cast %add3A_47 : i32 to index
      %swap3A_55 = tpu.vector_load %arg8[%swap3A_54] {strides = array<i32>} : memref<8192xf32, #tpu.memory_space<vmem>>, vector<16xf32>,
      %swap3A_56 = vector.shape_cast %swap3A_55 : vector<16xf32> to vector<16xf32>
      %swap3A_57 = vector.shape_cast %gather3A_53 : vector<16xf32> to vector<16xf32>
      tpu.vector_store %arg8[%swap3A_54], %swap3A_57 {strides = array<i32>} : memref<8192xf32, #tpu.memory_space<vmem>>, vector<16xf32>,
      %add3A_58 = arith.constant 32 : i32
      %add3A_59 = arith.addi %mul3A_36, %add3A_58 : i32
      %get3A_60 = arith.index_cast %add3A_59 : i32 to index
      %get3A_61 = tpu.vector_load %arg6[%get3A_60] {strides = array<i32>} : memref<8192xi32, #tpu.memory_space<vmem>>, vector<16xi32>,
      %get3A_62 = vector.shape_cast %get3A_61 : vector<16xi32> to vector<16xi32>
      %broadcast_in_dim3A_63 = vector.shape_cast %get3A_62 : vector<16xi32> to vector<16x1xi32>
      %gather3A_64 = vector.shape_cast %broadcast_in_dim3A_63 : vector<16x1xi32> to vector<16xi32>
      %gather3A_65 = tpu.dynamic_gather %get3A_9[%gather3A_64] in [0] : vector<16xf32>, vector<16xi32> -> vector<16xf32>
      %swap3A_66 = arith.index_cast %add3A_59 : i32 to index
      %swap3A_67 = tpu.vector_load %arg8[%swap3A_66] {strides = array<i32>} : memref<8192xf32, #tpu.memory_space<vmem>>, vector<16xf32>,
      %swap3A_68 = vector.shape_cast %swap3A_67 : vector<16xf32> to vector<16xf32>
      %swap3A_69 = vector.shape_cast %gather3A_65 : vector<16xf32> to vector<16xf32>
      tpu.vector_store %arg8[%swap3A_66], %swap3A_69 {strides = array<i32>} : memref<8192xf32, #tpu.memory_space<vmem>>, vector<16xf32>,
      %add3A_70 = arith.constant 48 : i32
      %add3A_71 = arith.addi %mul3A_36, %add3A_70 : i32
      %get3A_72 = arith.index_cast %add3A_71 : i32 to index
      %get3A_73 = tpu.vector_load %arg6[%get3A_72] {strides = array<i32>} : memref<8192xi32, #tpu.memory_space<vmem>>, vector<16xi32>,
      %get3A_74 = vector.shape_cast %get3A_73 : vector<16xi32> to vector<16xi32>
      %broadcast_in_dim3A_75 = vector.shape_cast %get3A_74 : vector<16xi32> to vector<16x1xi32>
      %gather3A_76 = vector.shape_cast %broadcast_in_dim3A_75 : vector<16x1xi32> to vector<16xi32>
      %gather3A_77 = tpu.dynamic_gather %get3A_9[%gather3A_76] in [0] : vector<16xf32>, vector<16xi32> -> vector<16xf32>
      %swap3A_78 = arith.index_cast %add3A_71 : i32 to index
      %swap3A_79 = tpu.vector_load %arg8[%swap3A_78] {strides = array<i32>} : memref<8192xf32, #tpu.memory_space<vmem>>, vector<16xf32>,
      %swap3A_80 = vector.shape_cast %swap3A_79 : vector<16xf32> to vector<16xf32>
      %swap3A_81 = vector.shape_cast %gather3A_77 : vector<16xf32> to vector<16xf32>
      tpu.vector_store %arg8[%swap3A_78], %swap3A_81 {strides = array<i32>} : memref<8192xf32, #tpu.memory_space<vmem>>, vector<16xf32>,
      %add3A_82 = arith.constant 64 : i32
      %add3A_83 = arith.addi %mul3A_36, %add3A_82 : i32
      %get3A_84 = arith.index_cast %add3A_83 : i32 to index
      %get3A_85 = tpu.vector_load %arg6[%get3A_84] {strides = array<i32>} : memref<8192xi32, #tpu.memory_space<vmem>>, vector<16xi32>,
      %get3A_86 = vector.shape_cast %get3A_85 : vector<16xi32> to vector<16xi32>
      %broadcast_in_dim3A_87 = vector.shape_cast %get3A_86 : vector<16xi32> to vector<16x1xi32>
      %gather3A_88 = vector.shape_cast %broadcast_in_dim3A_87 : vector<16x1xi32> to vector<16xi32>
      %gather3A_89 = tpu.dynamic_gather %get3A_9[%gather3A_88] in [0] : vector<16xf32>, vector<16xi32> -> vector<16xf32>
      %swap3A_90 = arith.index_cast %add3A_83 : i32 to index
      %swap3A_91 = tpu.vector_load %arg8[%swap3A_90] {strides = array<i32>} : memref<8192xf32, #tpu.memory_space<vmem>>, vector<16xf32>,
      %swap3A_92 = vector.shape_cast %swap3A_91 : vector<16xf32> to vector<16xf32>
      %swap3A_93 = vector.shape_cast %gather3A_89 : vector<16xf32> to vector<16xf32>
      tpu.vector_store %arg8[%swap3A_90], %swap3A_93 {strides = array<i32>} : memref<8192xf32, #tpu.memory_space<vmem>>, vector<16xf32>,
      %add3A_94 = arith.constant 80 : i32
      %add3A_95 = arith.addi %mul3A_36, %add3A_94 : i32
      %get3A_96 = arith.index_cast %add3A_95 : i32 to index
      %get3A_97 = tpu.vector_load %arg6[%get3A_96] {strides = array<i32>} : memref<8192xi32, #tpu.memory_space<vmem>>, vector<16xi32>,
      %get3A_98 = vector.shape_cast %get3A_97 : vector<16xi32> to vector<16xi32>
      %broadcast_in_dim3A_99 = vector.shape_cast %get3A_98 : vector<16xi32> to vector<16x1xi32>
      %gather3A_100 = vector.shape_cast %broadcast_in_dim3A_99 : vector<16x1xi32> to vector<16xi32>
      %gather3A_101 = tpu.dynamic_gather %get3A_9[%gather3A_100] in [0] : vector<16xf32>, vector<16xi32> -> vector<16xf32>
      %swap3A_102 = arith.index_cast %add3A_95 : i32 to index
      %swap3A_103 = tpu.vector_load %arg8[%swap3A_102] {strides = array<i32>} : memref<8192xf32, #tpu.memory_space<vmem>>, vector<16xf32>,
      %swap3A_104 = vector.shape_cast %swap3A_103 : vector<16xf32> to vector<16xf32>
      %swap3A_105 = vector.shape_cast %gather3A_101 : vector<16xf32> to vector<16xf32>
      tpu.vector_store %arg8[%swap3A_102], %swap3A_105 {strides = array<i32>} : memref<8192xf32, #tpu.memory_space<vmem>>, vector<16xf32>,
      %add3A_106 = arith.constant 96 : i32
      %add3A_107 = arith.addi %mul3A_36, %add3A_106 : i32
      %get3A_108 = arith.index_cast %add3A_107 : i32 to index
      %get3A_109 = tpu.vector_load %arg6[%get3A_108] {strides = array<i32>} : memref<8192xi32, #tpu.memory_space<vmem>>, vector<16xi32>,
      %get3A_110 = vector.shape_cast %get3A_109 : vector<16xi32> to vector<16xi32>
      %broadcast_in_dim3A_111 = vector.shape_cast %get3A_110 : vector<16xi32> to vector<16x1xi32>
      %gather3A_112 = vector.shape_cast %broadcast_in_dim3A_111 : vector<16x1xi32> to vector<16xi32>
      %gather3A_113 = tpu.dynamic_gather %get3A_9[%gather3A_112] in [0] : vector<16xf32>, vector<16xi32> -> vector<16xf32>
      %swap3A_114 = arith.index_cast %add3A_107 : i32 to index
      %swap3A_115 = tpu.vector_load %arg8[%swap3A_114] {strides = array<i32>} : memref<8192xf32, #tpu.memory_space<vmem>>, vector<16xf32>,
      %swap3A_116 = vector.shape_cast %swap3A_115 : vector<16xf32> to vector<16xf32>
      %swap3A_117 = vector.shape_cast %gather3A_113 : vector<16xf32> to vector<16xf32>
      tpu.vector_store %arg8[%swap3A_114], %swap3A_117 {strides = array<i32>} : memref<8192xf32, #tpu.memory_space<vmem>>, vector<16xf32>,
      %add3A_118 = arith.constant 112 : i32
      %add3A_119 = arith.addi %mul3A_36, %add3A_118 : i32
      %get3A_120 = arith.index_cast %add3A_119 : i32 to index
      %get3A_121 = tpu.vector_load %arg6[%get3A_120] {strides = array<i32>} : memref<8192xi32, #tpu.memory_space<vmem>>, vector<16xi32>,
      %get3A_122 = vector.shape_cast %get3A_121 : vector<16xi32> to vector<16xi32>
      %broadcast_in_dim3A_123 = vector.shape_cast %get3A_122 : vector<16xi32> to vector<16x1xi32>
      %gather3A_124 = vector.shape_cast %broadcast_in_dim3A_123 : vector<16x1xi32> to vector<16xi32>
      %gather3A_125 = tpu.dynamic_gather %get3A_9[%gather3A_124] in [0] : vector<16xf32>, vector<16xi32> -> vector<16xf32>
      %swap3A_126 = arith.index_cast %add3A_119 : i32 to index
      %swap3A_127 = tpu.vector_load %arg8[%swap3A_126] {strides = array<i32>} : memref<8192xf32, #tpu.memory_space<vmem>>, vector<16xf32>,
      %swap3A_128 = vector.shape_cast %swap3A_127 : vector<16xf32> to vector<16xf32>
      %swap3A_129 = vector.shape_cast %gather3A_125 : vector<16xf32> to vector<16xf32>
      tpu.vector_store %arg8[%swap3A_126], %swap3A_129 {strides = array<i32>} : memref<8192xf32, #tpu.memory_space<vmem>>, vector<16xf32>,
      %add3A_130 = arith.constant 128 : i32
      %add3A_131 = arith.addi %mul3A_36, %add3A_130 : i32
      %get3A_132 = arith.index_cast %add3A_131 : i32 to index
      %get3A_133 = tpu.vector_load %arg6[%get3A_132] {strides = array<i32>} : memref<8192xi32, #tpu.memory_space<vmem>>, vector<16xi32>,
      %get3A_134 = vector.shape_cast %get3A_133 : vector<16xi32> to vector<16xi32>
      %broadcast_in_dim3A_135 = vector.shape_cast %get3A_134 : vector<16xi32> to vector<16x1xi32>
      %gather3A_136 = vector.shape_cast %broadcast_in_dim3A_135 : vector<16x1xi32> to vector<16xi32>
      %gather3A_137 = tpu.dynamic_gather %get3A_9[%gather3A_136] in [0] : vector<16xf32>, vector<16xi32> -> vector<16xf32>
      %swap3A_138 = arith.index_cast %add3A_131 : i32 to index
      %swap3A_139 = tpu.vector_load %arg8[%swap3A_138] {strides = array<i32>} : memref<8192xf32, #tpu.memory_space<vmem>>, vector<16xf32>,
      %swap3A_140 = vector.shape_cast %swap3A_139 : vector<16xf32> to vector<16xf32>
      %swap3A_141 = vector.shape_cast %gather3A_137 : vector<16xf32> to vector<16xf32>
      tpu.vector_store %arg8[%swap3A_138], %swap3A_141 {strides = array<i32>} : memref<8192xf32, #tpu.memory_space<vmem>>, vector<16xf32>,
      %add3A_142 = arith.constant 144 : i32
      %add3A_143 = arith.addi %mul3A_36, %add3A_142 : i32
      %get3A_144 = arith.index_cast %add3A_143 : i32 to index
      %get3A_145 = tpu.vector_load %arg6[%get3A_144] {strides = array<i32>} : memref<8192xi32, #tpu.memory_space<vmem>>, vector<16xi32>,
      %get3A_146 = vector.shape_cast %get3A_145 : vector<16xi32> to vector<16xi32>
      %broadcast_in_dim3A_147 = vector.shape_cast %get3A_146 : vector<16xi32> to vector<16x1xi32>
      %gather3A_148 = vector.shape_cast %broadcast_in_dim3A_147 : vector<16x1xi32> to vector<16xi32>
      %gather3A_149 = tpu.dynamic_gather %get3A_9[%gather3A_148] in [0] : vector<16xf32>, vector<16xi32> -> vector<16xf32>
      %swap3A_150 = arith.index_cast %add3A_143 : i32 to index
      %swap3A_151 = tpu.vector_load %arg8[%swap3A_150] {strides = array<i32>} : memref<8192xf32, #tpu.memory_space<vmem>>, vector<16xf32>,
      %swap3A_152 = vector.shape_cast %swap3A_151 : vector<16xf32> to vector<16xf32>
      %swap3A_153 = vector.shape_cast %gather3A_149 : vector<16xf32> to vector<16xf32>
      tpu.vector_store %arg8[%swap3A_150], %swap3A_153 {strides = array<i32>} : memref<8192xf32, #tpu.memory_space<vmem>>, vector<16xf32>,
      %add3A_154 = arith.constant 160 : i32
      %add3A_155 = arith.addi %mul3A_36, %add3A_154 : i32
      %get3A_156 = arith.index_cast %add3A_155 : i32 to index
      %get3A_157 = tpu.vector_load %arg6[%get3A_156] {strides = array<i32>} : memref<8192xi32, #tpu.memory_space<vmem>>, vector<16xi32>,
      %get3A_158 = vector.shape_cast %get3A_157 : vector<16xi32> to vector<16xi32>
      %broadcast_in_dim3A_159 = vector.shape_cast %get3A_158 : vector<16xi32> to vector<16x1xi32>
      %gather3A_160 = vector.shape_cast %broadcast_in_dim3A_159 : vector<16x1xi32> to vector<16xi32>
      %gather3A_161 = tpu.dynamic_gather %get3A_9[%gather3A_160] in [0] : vector<16xf32>, vector<16xi32> -> vector<16xf32>
      %swap3A_162 = arith.index_cast %add3A_155 : i32 to index
      %swap3A_163 = tpu.vector_load %arg8[%swap3A_162] {strides = array<i32>} : memref<8192xf32, #tpu.memory_space<vmem>>, vector<16xf32>,
      %swap3A_164 = vector.shape_cast %swap3A_163 : vector<16xf32> to vector<16xf32>
      %swap3A_165 = vector.shape_cast %gather3A_161 : vector<16xf32> to vector<16xf32>
      tpu.vector_store %arg8[%swap3A_162], %swap3A_165 {strides = array<i32>} : memref<8192xf32, #tpu.memory_space<vmem>>, vector<16xf32>,
      %add3A_166 = arith.constant 176 : i32
      %add3A_167 = arith.addi %mul3A_36, %add3A_166 : i32
      %get3A_168 = arith.index_cast %add3A_167 : i32 to index
      %get3A_169 = tpu.vector_load %arg6[%get3A_168] {strides = array<i32>} : memref<8192xi32, #tpu.memory_space<vmem>>, vector<16xi32>,
      %get3A_170 = vector.shape_cast %get3A_169 : vector<16xi32> to vector<16xi32>
      %broadcast_in_dim3A_171 = vector.shape_cast %get3A_170 : vector<16xi32> to vector<16x1xi32>
      %gather3A_172 = vector.shape_cast %broadcast_in_dim3A_171 : vector<16x1xi32> to vector<16xi32>
      %gather3A_173 = tpu.dynamic_gather %get3A_9[%gather3A_172] in [0] : vector<16xf32>, vector<16xi32> -> vector<16xf32>
      %swap3A_174 = arith.index_cast %add3A_167 : i32 to index
      %swap3A_175 = tpu.vector_load %arg8[%swap3A_174] {strides = array<i32>} : memref<8192xf32, #tpu.memory_space<vmem>>, vector<16xf32>,
      %swap3A_176 = vector.shape_cast %swap3A_175 : vector<16xf32> to vector<16xf32>
      %swap3A_177 = vector.shape_cast %gather3A_173 : vector<16xf32> to vector<16xf32>
      tpu.vector_store %arg8[%swap3A_174], %swap3A_177 {strides = array<i32>} : memref<8192xf32, #tpu.memory_space<vmem>>, vector<16xf32>,
      %add3A_178 = arith.constant 192 : i32
      %add3A_179 = arith.addi %mul3A_36, %add3A_178 : i32
      %get3A_180 = arith.index_cast %add3A_179 : i32 to index
      %get3A_181 = tpu.vector_load %arg6[%get3A_180] {strides = array<i32>} : memref<8192xi32, #tpu.memory_space<vmem>>, vector<16xi32>,
      %get3A_182 = vector.shape_cast %get3A_181 : vector<16xi32> to vector<16xi32>
      %broadcast_in_dim3A_183 = vector.shape_cast %get3A_182 : vector<16xi32> to vector<16x1xi32>
      %gather3A_184 = vector.shape_cast %broadcast_in_dim3A_183 : vector<16x1xi32> to vector<16xi32>
      %gather3A_185 = tpu.dynamic_gather %get3A_9[%gather3A_184] in [0] : vector<16xf32>, vector<16xi32> -> vector<16xf32>
      %swap3A_186 = arith.index_cast %add3A_179 : i32 to index
      %swap3A_187 = tpu.vector_load %arg8[%swap3A_186] {strides = array<i32>} : memref<8192xf32, #tpu.memory_space<vmem>>, vector<16xf32>,
      %swap3A_188 = vector.shape_cast %swap3A_187 : vector<16xf32> to vector<16xf32>
      %swap3A_189 = vector.shape_cast %gather3A_185 : vector<16xf32> to vector<16xf32>
      tpu.vector_store %arg8[%swap3A_186], %swap3A_189 {strides = array<i32>} : memref<8192xf32, #tpu.memory_space<vmem>>, vector<16xf32>,
      %add3A_190 = arith.constant 208 : i32
      %add3A_191 = arith.addi %mul3A_36, %add3A_190 : i32
      %get3A_192 = arith.index_cast %add3A_191 : i32 to index
      %get3A_193 = tpu.vector_load %arg6[%get3A_192] {strides = array<i32>} : memref<8192xi32, #tpu.memory_space<vmem>>, vector<16xi32>,
      %get3A_194 = vector.shape_cast %get3A_193 : vector<16xi32> to vector<16xi32>
      %broadcast_in_dim3A_195 = vector.shape_cast %get3A_194 : vector<16xi32> to vector<16x1xi32>
      %gather3A_196 = vector.shape_cast %broadcast_in_dim3A_195 : vector<16x1xi32> to vector<16xi32>
      %gather3A_197 = tpu.dynamic_gather %get3A_9[%gather3A_196] in [0] : vector<16xf32>, vector<16xi32> -> vector<16xf32>
      %swap3A_198 = arith.index_cast %add3A_191 : i32 to index
      %swap3A_199 = tpu.vector_load %arg8[%swap3A_198] {strides = array<i32>} : memref<8192xf32, #tpu.memory_space<vmem>>, vector<16xf32>,
      %swap3A_200 = vector.shape_cast %swap3A_199 : vector<16xf32> to vector<16xf32>
      %swap3A_201 = vector.shape_cast %gather3A_197 : vector<16xf32> to vector<16xf32>
      tpu.vector_store %arg8[%swap3A_198], %swap3A_201 {strides = array<i32>} : memref<8192xf32, #tpu.memory_space<vmem>>, vector<16xf32>,
      %add3A_202 = arith.constant 224 : i32
      %add3A_203 = arith.addi %mul3A_36, %add3A_202 : i32
      %get3A_204 = arith.index_cast %add3A_203 : i32 to index
      %get3A_205 = tpu.vector_load %arg6[%get3A_204] {strides = array<i32>} : memref<8192xi32, #tpu.memory_space<vmem>>, vector<16xi32>,
      %get3A_206 = vector.shape_cast %get3A_205 : vector<16xi32> to vector<16xi32>
      %broadcast_in_dim3A_207 = vector.shape_cast %get3A_206 : vector<16xi32> to vector<16x1xi32>
      %gather3A_208 = vector.shape_cast %broadcast_in_dim3A_207 : vector<16x1xi32> to vector<16xi32>
      %gather3A_209 = tpu.dynamic_gather %get3A_9[%gather3A_208] in [0] : vector<16xf32>, vector<16xi32> -> vector<16xf32>
      %swap3A_210 = arith.index_cast %add3A_203 : i32 to index
      %swap3A_211 = tpu.vector_load %arg8[%swap3A_210] {strides = array<i32>} : memref<8192xf32, #tpu.memory_space<vmem>>, vector<16xf32>,
      %swap3A_212 = vector.shape_cast %swap3A_211 : vector<16xf32> to vector<16xf32>
      %swap3A_213 = vector.shape_cast %gather3A_209 : vector<16xf32> to vector<16xf32>
      tpu.vector_store %arg8[%swap3A_210], %swap3A_213 {strides = array<i32>} : memref<8192xf32, #tpu.memory_space<vmem>>, vector<16xf32>,
      %add3A_214 = arith.constant 240 : i32
      %add3A_215 = arith.addi %mul3A_36, %add3A_214 : i32
      %get3A_216 = arith.index_cast %add3A_215 : i32 to index
      %get3A_217 = tpu.vector_load %arg6[%get3A_216] {strides = array<i32>} : memref<8192xi32, #tpu.memory_space<vmem>>, vector<16xi32>,
      %get3A_218 = vector.shape_cast %get3A_217 : vector<16xi32> to vector<16xi32>
      %broadcast_in_dim3A_219 = vector.shape_cast %get3A_218 : vector<16xi32> to vector<16x1xi32>
      %gather3A_220 = vector.shape_cast %broadcast_in_dim3A_219 : vector<16x1xi32> to vector<16xi32>
      %gather3A_221 = tpu.dynamic_gather %get3A_9[%gather3A_220] in [0] : vector<16xf32>, vector<16xi32> -> vector<16xf32>
      %swap3A_222 = arith.index_cast %add3A_215 : i32 to index
      %swap3A_223 = tpu.vector_load %arg8[%swap3A_222] {strides = array<i32>} : memref<8192xf32, #tpu.memory_space<vmem>>, vector<16xf32>,
      %swap3A_224 = vector.shape_cast %swap3A_223 : vector<16xf32> to vector<16xf32>
      %swap3A_225 = vector.shape_cast %gather3A_221 : vector<16xf32> to vector<16xf32>
      tpu.vector_store %arg8[%swap3A_222], %swap3A_225 {strides = array<i32>} : memref<8192xf32, #tpu.memory_space<vmem>>, vector<16xf32>,
    }
    %scan3A_15 = arith.constant 32 : i32
    %dma_start3A_16 = tpu.memref_slice %arg4[%mul3A_2] : memref<524288xf32, #tpu.memory_space<hbm>> -> memref<8192xf32, #tpu.memory_space<hbm>>
    %dma_start3A_17 = tpu.memref_slice %arg4[%mul3A_2] : memref<524288xf32, #tpu.memory_space<hbm>> -> memref<8192xf32, #tpu.memory_space<hbm>>
    tpu.enqueue_dma source(%arg8 : memref<8192xf32, #tpu.memory_space<vmem>>) target(%dma_start3A_17 : memref<8192xf32, #tpu.memory_space<hbm>>) target_semaphore(%arg12 : memref<!tpu.dma_semaphore, #tpu.memory_space<semaphore_mem>>)
    %dma_wait3A_18 = tpu.memref_slice %arg3[%add3A_5] : memref<524288xi32, #tpu.memory_space<hbm>> -> memref<8192xi32, #tpu.memory_space<hbm>>
    %dma_wait3A_19 = tpu.memref_slice %arg3[%add3A_5] : memref<524288xi32, #tpu.memory_space<hbm>> -> memref<8192xi32, #tpu.memory_space<hbm>>
    tpu.wait_dma2 semaphore(%arg11 : memref<!tpu.dma_semaphore, #tpu.memory_space<semaphore_mem>>) src(%dma_wait3A_19 : memref<8192xi32, #tpu.memory_space<hbm>>) dst(%arg7 : memref<8192xi32, #tpu.memory_space<vmem>>)
    %scan3A_20 = arith.constant 0 : i32
    %scan3A_21 = arith.constant 0 : i32
    %scan3A_22 = arith.constant 32 : i32
    %scan3A_23 = arith.addi %scan3A_21, %scan3A_22 : i32
    %scan3A_24 = arith.constant 1 : i32
    scf.for %scan3A_34 = %scan3A_21 to %scan3A_23 step %scan3A_24  : i32 {
      %mul3A_35 = arith.constant 256 : i32
      %mul3A_36 = arith.muli %scan3A_34, %mul3A_35 : i32
      %add3A_37 = arith.constant 0 : i32
      %add3A_38 = arith.addi %mul3A_36, %add3A_37 : i32
      %get3A_39 = arith.index_cast %add3A_38 : i32 to index
      %get3A_40 = tpu.vector_load %arg7[%get3A_39] {strides = array<i32>} : memref<8192xi32, #tpu.memory_space<vmem>>, vector<16xi32>,
      %get3A_41 = vector.shape_cast %get3A_40 : vector<16xi32> to vector<16xi32>
      %broadcast_in_dim3A = vector.shape_cast %get3A_41 : vector<16xi32> to vector<16x1xi32>
      %gather3A = vector.shape_cast %broadcast_in_dim3A : vector<16x1xi32> to vector<16xi32>
      %gather3A_42 = tpu.dynamic_gather %get3A_9[%gather3A] in [0] : vector<16xf32>, vector<16xi32> -> vector<16xf32>
      %swap3A = arith.index_cast %add3A_38 : i32 to index
      %swap3A_43 = tpu.vector_load %arg9[%swap3A] {strides = array<i32>} : memref<8192xf32, #tpu.memory_space<vmem>>, vector<16xf32>,
      %swap3A_44 = vector.shape_cast %swap3A_43 : vector<16xf32> to vector<16xf32>
      %swap3A_45 = vector.shape_cast %gather3A_42 : vector<16xf32> to vector<16xf32>
      tpu.vector_store %arg9[%swap3A], %swap3A_45 {strides = array<i32>} : memref<8192xf32, #tpu.memory_space<vmem>>, vector<16xf32>,
      %add3A_46 = arith.constant 16 : i32
      %add3A_47 = arith.addi %mul3A_36, %add3A_46 : i32
      %get3A_48 = arith.index_cast %add3A_47 : i32 to index
      %get3A_49 = tpu.vector_load %arg7[%get3A_48] {strides = array<i32>} : memref<8192xi32, #tpu.memory_space<vmem>>, vector<16xi32>,
      %get3A_50 = vector.shape_cast %get3A_49 : vector<16xi32> to vector<16xi32>
      %broadcast_in_dim3A_51 = vector.shape_cast %get3A_50 : vector<16xi32> to vector<16x1xi32>
      %gather3A_52 = vector.shape_cast %broadcast_in_dim3A_51 : vector<16x1xi32> to vector<16xi32>
      %gather3A_53 = tpu.dynamic_gather %get3A_9[%gather3A_52] in [0] : vector<16xf32>, vector<16xi32> -> vector<16xf32>
      %swap3A_54 = arith.index_cast %add3A_47 : i32 to index
      %swap3A_55 = tpu.vector_load %arg9[%swap3A_54] {strides = array<i32>} : memref<8192xf32, #tpu.memory_space<vmem>>, vector<16xf32>,
      %swap3A_56 = vector.shape_cast %swap3A_55 : vector<16xf32> to vector<16xf32>
      %swap3A_57 = vector.shape_cast %gather3A_53 : vector<16xf32> to vector<16xf32>
      tpu.vector_store %arg9[%swap3A_54], %swap3A_57 {strides = array<i32>} : memref<8192xf32, #tpu.memory_space<vmem>>, vector<16xf32>,
      %add3A_58 = arith.constant 32 : i32
      %add3A_59 = arith.addi %mul3A_36, %add3A_58 : i32
      %get3A_60 = arith.index_cast %add3A_59 : i32 to index
      %get3A_61 = tpu.vector_load %arg7[%get3A_60] {strides = array<i32>} : memref<8192xi32, #tpu.memory_space<vmem>>, vector<16xi32>,
      %get3A_62 = vector.shape_cast %get3A_61 : vector<16xi32> to vector<16xi32>
      %broadcast_in_dim3A_63 = vector.shape_cast %get3A_62 : vector<16xi32> to vector<16x1xi32>
      %gather3A_64 = vector.shape_cast %broadcast_in_dim3A_63 : vector<16x1xi32> to vector<16xi32>
      %gather3A_65 = tpu.dynamic_gather %get3A_9[%gather3A_64] in [0] : vector<16xf32>, vector<16xi32> -> vector<16xf32>
      %swap3A_66 = arith.index_cast %add3A_59 : i32 to index
      %swap3A_67 = tpu.vector_load %arg9[%swap3A_66] {strides = array<i32>} : memref<8192xf32, #tpu.memory_space<vmem>>, vector<16xf32>,
      %swap3A_68 = vector.shape_cast %swap3A_67 : vector<16xf32> to vector<16xf32>
      %swap3A_69 = vector.shape_cast %gather3A_65 : vector<16xf32> to vector<16xf32>
      tpu.vector_store %arg9[%swap3A_66], %swap3A_69 {strides = array<i32>} : memref<8192xf32, #tpu.memory_space<vmem>>, vector<16xf32>,
      %add3A_70 = arith.constant 48 : i32
      %add3A_71 = arith.addi %mul3A_36, %add3A_70 : i32
      %get3A_72 = arith.index_cast %add3A_71 : i32 to index
      %get3A_73 = tpu.vector_load %arg7[%get3A_72] {strides = array<i32>} : memref<8192xi32, #tpu.memory_space<vmem>>, vector<16xi32>,
      %get3A_74 = vector.shape_cast %get3A_73 : vector<16xi32> to vector<16xi32>
      %broadcast_in_dim3A_75 = vector.shape_cast %get3A_74 : vector<16xi32> to vector<16x1xi32>
      %gather3A_76 = vector.shape_cast %broadcast_in_dim3A_75 : vector<16x1xi32> to vector<16xi32>
      %gather3A_77 = tpu.dynamic_gather %get3A_9[%gather3A_76] in [0] : vector<16xf32>, vector<16xi32> -> vector<16xf32>
      %swap3A_78 = arith.index_cast %add3A_71 : i32 to index
      %swap3A_79 = tpu.vector_load %arg9[%swap3A_78] {strides = array<i32>} : memref<8192xf32, #tpu.memory_space<vmem>>, vector<16xf32>,
      %swap3A_80 = vector.shape_cast %swap3A_79 : vector<16xf32> to vector<16xf32>
      %swap3A_81 = vector.shape_cast %gather3A_77 : vector<16xf32> to vector<16xf32>
      tpu.vector_store %arg9[%swap3A_78], %swap3A_81 {strides = array<i32>} : memref<8192xf32, #tpu.memory_space<vmem>>, vector<16xf32>,
      %add3A_82 = arith.constant 64 : i32
      %add3A_83 = arith.addi %mul3A_36, %add3A_82 : i32
      %get3A_84 = arith.index_cast %add3A_83 : i32 to index
      %get3A_85 = tpu.vector_load %arg7[%get3A_84] {strides = array<i32>} : memref<8192xi32, #tpu.memory_space<vmem>>, vector<16xi32>,
      %get3A_86 = vector.shape_cast %get3A_85 : vector<16xi32> to vector<16xi32>
      %broadcast_in_dim3A_87 = vector.shape_cast %get3A_86 : vector<16xi32> to vector<16x1xi32>
      %gather3A_88 = vector.shape_cast %broadcast_in_dim3A_87 : vector<16x1xi32> to vector<16xi32>
      %gather3A_89 = tpu.dynamic_gather %get3A_9[%gather3A_88] in [0] : vector<16xf32>, vector<16xi32> -> vector<16xf32>
      %swap3A_90 = arith.index_cast %add3A_83 : i32 to index
      %swap3A_91 = tpu.vector_load %arg9[%swap3A_90] {strides = array<i32>} : memref<8192xf32, #tpu.memory_space<vmem>>, vector<16xf32>,
      %swap3A_92 = vector.shape_cast %swap3A_91 : vector<16xf32> to vector<16xf32>
      %swap3A_93 = vector.shape_cast %gather3A_89 : vector<16xf32> to vector<16xf32>
      tpu.vector_store %arg9[%swap3A_90], %swap3A_93 {strides = array<i32>} : memref<8192xf32, #tpu.memory_space<vmem>>, vector<16xf32>,
      %add3A_94 = arith.constant 80 : i32
      %add3A_95 = arith.addi %mul3A_36, %add3A_94 : i32
      %get3A_96 = arith.index_cast %add3A_95 : i32 to index
      %get3A_97 = tpu.vector_load %arg7[%get3A_96] {strides = array<i32>} : memref<8192xi32, #tpu.memory_space<vmem>>, vector<16xi32>,
      %get3A_98 = vector.shape_cast %get3A_97 : vector<16xi32> to vector<16xi32>
      %broadcast_in_dim3A_99 = vector.shape_cast %get3A_98 : vector<16xi32> to vector<16x1xi32>
      %gather3A_100 = vector.shape_cast %broadcast_in_dim3A_99 : vector<16x1xi32> to vector<16xi32>
      %gather3A_101 = tpu.dynamic_gather %get3A_9[%gather3A_100] in [0] : vector<16xf32>, vector<16xi32> -> vector<16xf32>
      %swap3A_102 = arith.index_cast %add3A_95 : i32 to index
      %swap3A_103 = tpu.vector_load %arg9[%swap3A_102] {strides = array<i32>} : memref<8192xf32, #tpu.memory_space<vmem>>, vector<16xf32>,
      %swap3A_104 = vector.shape_cast %swap3A_103 : vector<16xf32> to vector<16xf32>
      %swap3A_105 = vector.shape_cast %gather3A_101 : vector<16xf32> to vector<16xf32>
      tpu.vector_store %arg9[%swap3A_102], %swap3A_105 {strides = array<i32>} : memref<8192xf32, #tpu.memory_space<vmem>>, vector<16xf32>,
      %add3A_106 = arith.constant 96 : i32
      %add3A_107 = arith.addi %mul3A_36, %add3A_106 : i32
      %get3A_108 = arith.index_cast %add3A_107 : i32 to index
      %get3A_109 = tpu.vector_load %arg7[%get3A_108] {strides = array<i32>} : memref<8192xi32, #tpu.memory_space<vmem>>, vector<16xi32>,
      %get3A_110 = vector.shape_cast %get3A_109 : vector<16xi32> to vector<16xi32>
      %broadcast_in_dim3A_111 = vector.shape_cast %get3A_110 : vector<16xi32> to vector<16x1xi32>
      %gather3A_112 = vector.shape_cast %broadcast_in_dim3A_111 : vector<16x1xi32> to vector<16xi32>
      %gather3A_113 = tpu.dynamic_gather %get3A_9[%gather3A_112] in [0] : vector<16xf32>, vector<16xi32> -> vector<16xf32>
      %swap3A_114 = arith.index_cast %add3A_107 : i32 to index
      %swap3A_115 = tpu.vector_load %arg9[%swap3A_114] {strides = array<i32>} : memref<8192xf32, #tpu.memory_space<vmem>>, vector<16xf32>,
      %swap3A_116 = vector.shape_cast %swap3A_115 : vector<16xf32> to vector<16xf32>
      %swap3A_117 = vector.shape_cast %gather3A_113 : vector<16xf32> to vector<16xf32>
      tpu.vector_store %arg9[%swap3A_114], %swap3A_117 {strides = array<i32>} : memref<8192xf32, #tpu.memory_space<vmem>>, vector<16xf32>,
      %add3A_118 = arith.constant 112 : i32
      %add3A_119 = arith.addi %mul3A_36, %add3A_118 : i32
      %get3A_120 = arith.index_cast %add3A_119 : i32 to index
      %get3A_121 = tpu.vector_load %arg7[%get3A_120] {strides = array<i32>} : memref<8192xi32, #tpu.memory_space<vmem>>, vector<16xi32>,
      %get3A_122 = vector.shape_cast %get3A_121 : vector<16xi32> to vector<16xi32>
      %broadcast_in_dim3A_123 = vector.shape_cast %get3A_122 : vector<16xi32> to vector<16x1xi32>
      %gather3A_124 = vector.shape_cast %broadcast_in_dim3A_123 : vector<16x1xi32> to vector<16xi32>
      %gather3A_125 = tpu.dynamic_gather %get3A_9[%gather3A_124] in [0] : vector<16xf32>, vector<16xi32> -> vector<16xf32>
      %swap3A_126 = arith.index_cast %add3A_119 : i32 to index
      %swap3A_127 = tpu.vector_load %arg9[%swap3A_126] {strides = array<i32>} : memref<8192xf32, #tpu.memory_space<vmem>>, vector<16xf32>,
      %swap3A_128 = vector.shape_cast %swap3A_127 : vector<16xf32> to vector<16xf32>
      %swap3A_129 = vector.shape_cast %gather3A_125 : vector<16xf32> to vector<16xf32>
      tpu.vector_store %arg9[%swap3A_126], %swap3A_129 {strides = array<i32>} : memref<8192xf32, #tpu.memory_space<vmem>>, vector<16xf32>,
      %add3A_130 = arith.constant 128 : i32
      %add3A_131 = arith.addi %mul3A_36, %add3A_130 : i32
      %get3A_132 = arith.index_cast %add3A_131 : i32 to index
      %get3A_133 = tpu.vector_load %arg7[%get3A_132] {strides = array<i32>} : memref<8192xi32, #tpu.memory_space<vmem>>, vector<16xi32>,
      %get3A_134 = vector.shape_cast %get3A_133 : vector<16xi32> to vector<16xi32>
      %broadcast_in_dim3A_135 = vector.shape_cast %get3A_134 : vector<16xi32> to vector<16x1xi32>
      %gather3A_136 = vector.shape_cast %broadcast_in_dim3A_135 : vector<16x1xi32> to vector<16xi32>
      %gather3A_137 = tpu.dynamic_gather %get3A_9[%gather3A_136] in [0] : vector<16xf32>, vector<16xi32> -> vector<16xf32>
      %swap3A_138 = arith.index_cast %add3A_131 : i32 to index
      %swap3A_139 = tpu.vector_load %arg9[%swap3A_138] {strides = array<i32>} : memref<8192xf32, #tpu.memory_space<vmem>>, vector<16xf32>,
      %swap3A_140 = vector.shape_cast %swap3A_139 : vector<16xf32> to vector<16xf32>
      %swap3A_141 = vector.shape_cast %gather3A_137 : vector<16xf32> to vector<16xf32>
      tpu.vector_store %arg9[%swap3A_138], %swap3A_141 {strides = array<i32>} : memref<8192xf32, #tpu.memory_space<vmem>>, vector<16xf32>,
      %add3A_142 = arith.constant 144 : i32
      %add3A_143 = arith.addi %mul3A_36, %add3A_142 : i32
      %get3A_144 = arith.index_cast %add3A_143 : i32 to index
      %get3A_145 = tpu.vector_load %arg7[%get3A_144] {strides = array<i32>} : memref<8192xi32, #tpu.memory_space<vmem>>, vector<16xi32>,
      %get3A_146 = vector.shape_cast %get3A_145 : vector<16xi32> to vector<16xi32>
      %broadcast_in_dim3A_147 = vector.shape_cast %get3A_146 : vector<16xi32> to vector<16x1xi32>
      %gather3A_148 = vector.shape_cast %broadcast_in_dim3A_147 : vector<16x1xi32> to vector<16xi32>
      %gather3A_149 = tpu.dynamic_gather %get3A_9[%gather3A_148] in [0] : vector<16xf32>, vector<16xi32> -> vector<16xf32>
      %swap3A_150 = arith.index_cast %add3A_143 : i32 to index
      %swap3A_151 = tpu.vector_load %arg9[%swap3A_150] {strides = array<i32>} : memref<8192xf32, #tpu.memory_space<vmem>>, vector<16xf32>,
      %swap3A_152 = vector.shape_cast %swap3A_151 : vector<16xf32> to vector<16xf32>
      %swap3A_153 = vector.shape_cast %gather3A_149 : vector<16xf32> to vector<16xf32>
      tpu.vector_store %arg9[%swap3A_150], %swap3A_153 {strides = array<i32>} : memref<8192xf32, #tpu.memory_space<vmem>>, vector<16xf32>,
      %add3A_154 = arith.constant 160 : i32
      %add3A_155 = arith.addi %mul3A_36, %add3A_154 : i32
      %get3A_156 = arith.index_cast %add3A_155 : i32 to index
      %get3A_157 = tpu.vector_load %arg7[%get3A_156] {strides = array<i32>} : memref<8192xi32, #tpu.memory_space<vmem>>, vector<16xi32>,
      %get3A_158 = vector.shape_cast %get3A_157 : vector<16xi32> to vector<16xi32>
      %broadcast_in_dim3A_159 = vector.shape_cast %get3A_158 : vector<16xi32> to vector<16x1xi32>
      %gather3A_160 = vector.shape_cast %broadcast_in_dim3A_159 : vector<16x1xi32> to vector<16xi32>
      %gather3A_161 = tpu.dynamic_gather %get3A_9[%gather3A_160] in [0] : vector<16xf32>, vector<16xi32> -> vector<16xf32>
      %swap3A_162 = arith.index_cast %add3A_155 : i32 to index
      %swap3A_163 = tpu.vector_load %arg9[%swap3A_162] {strides = array<i32>} : memref<8192xf32, #tpu.memory_space<vmem>>, vector<16xf32>,
      %swap3A_164 = vector.shape_cast %swap3A_163 : vector<16xf32> to vector<16xf32>
      %swap3A_165 = vector.shape_cast %gather3A_161 : vector<16xf32> to vector<16xf32>
      tpu.vector_store %arg9[%swap3A_162], %swap3A_165 {strides = array<i32>} : memref<8192xf32, #tpu.memory_space<vmem>>, vector<16xf32>,
      %add3A_166 = arith.constant 176 : i32
      %add3A_167 = arith.addi %mul3A_36, %add3A_166 : i32
      %get3A_168 = arith.index_cast %add3A_167 : i32 to index
      %get3A_169 = tpu.vector_load %arg7[%get3A_168] {strides = array<i32>} : memref<8192xi32, #tpu.memory_space<vmem>>, vector<16xi32>,
      %get3A_170 = vector.shape_cast %get3A_169 : vector<16xi32> to vector<16xi32>
      %broadcast_in_dim3A_171 = vector.shape_cast %get3A_170 : vector<16xi32> to vector<16x1xi32>
      %gather3A_172 = vector.shape_cast %broadcast_in_dim3A_171 : vector<16x1xi32> to vector<16xi32>
      %gather3A_173 = tpu.dynamic_gather %get3A_9[%gather3A_172] in [0] : vector<16xf32>, vector<16xi32> -> vector<16xf32>
      %swap3A_174 = arith.index_cast %add3A_167 : i32 to index
      %swap3A_175 = tpu.vector_load %arg9[%swap3A_174] {strides = array<i32>} : memref<8192xf32, #tpu.memory_space<vmem>>, vector<16xf32>,
      %swap3A_176 = vector.shape_cast %swap3A_175 : vector<16xf32> to vector<16xf32>
      %swap3A_177 = vector.shape_cast %gather3A_173 : vector<16xf32> to vector<16xf32>
      tpu.vector_store %arg9[%swap3A_174], %swap3A_177 {strides = array<i32>} : memref<8192xf32, #tpu.memory_space<vmem>>, vector<16xf32>,
      %add3A_178 = arith.constant 192 : i32
      %add3A_179 = arith.addi %mul3A_36, %add3A_178 : i32
      %get3A_180 = arith.index_cast %add3A_179 : i32 to index
      %get3A_181 = tpu.vector_load %arg7[%get3A_180] {strides = array<i32>} : memref<8192xi32, #tpu.memory_space<vmem>>, vector<16xi32>,
      %get3A_182 = vector.shape_cast %get3A_181 : vector<16xi32> to vector<16xi32>
      %broadcast_in_dim3A_183 = vector.shape_cast %get3A_182 : vector<16xi32> to vector<16x1xi32>
      %gather3A_184 = vector.shape_cast %broadcast_in_dim3A_183 : vector<16x1xi32> to vector<16xi32>
      %gather3A_185 = tpu.dynamic_gather %get3A_9[%gather3A_184] in [0] : vector<16xf32>, vector<16xi32> -> vector<16xf32>
      %swap3A_186 = arith.index_cast %add3A_179 : i32 to index
      %swap3A_187 = tpu.vector_load %arg9[%swap3A_186] {strides = array<i32>} : memref<8192xf32, #tpu.memory_space<vmem>>, vector<16xf32>,
      %swap3A_188 = vector.shape_cast %swap3A_187 : vector<16xf32> to vector<16xf32>
      %swap3A_189 = vector.shape_cast %gather3A_185 : vector<16xf32> to vector<16xf32>
      tpu.vector_store %arg9[%swap3A_186], %swap3A_189 {strides = array<i32>} : memref<8192xf32, #tpu.memory_space<vmem>>, vector<16xf32>,
      %add3A_190 = arith.constant 208 : i32
      %add3A_191 = arith.addi %mul3A_36, %add3A_190 : i32
      %get3A_192 = arith.index_cast %add3A_191 : i32 to index
      %get3A_193 = tpu.vector_load %arg7[%get3A_192] {strides = array<i32>} : memref<8192xi32, #tpu.memory_space<vmem>>, vector<16xi32>,
      %get3A_194 = vector.shape_cast %get3A_193 : vector<16xi32> to vector<16xi32>
      %broadcast_in_dim3A_195 = vector.shape_cast %get3A_194 : vector<16xi32> to vector<16x1xi32>
      %gather3A_196 = vector.shape_cast %broadcast_in_dim3A_195 : vector<16x1xi32> to vector<16xi32>
      %gather3A_197 = tpu.dynamic_gather %get3A_9[%gather3A_196] in [0] : vector<16xf32>, vector<16xi32> -> vector<16xf32>
      %swap3A_198 = arith.index_cast %add3A_191 : i32 to index
      %swap3A_199 = tpu.vector_load %arg9[%swap3A_198] {strides = array<i32>} : memref<8192xf32, #tpu.memory_space<vmem>>, vector<16xf32>,
      %swap3A_200 = vector.shape_cast %swap3A_199 : vector<16xf32> to vector<16xf32>
      %swap3A_201 = vector.shape_cast %gather3A_197 : vector<16xf32> to vector<16xf32>
      tpu.vector_store %arg9[%swap3A_198], %swap3A_201 {strides = array<i32>} : memref<8192xf32, #tpu.memory_space<vmem>>, vector<16xf32>,
      %add3A_202 = arith.constant 224 : i32
      %add3A_203 = arith.addi %mul3A_36, %add3A_202 : i32
      %get3A_204 = arith.index_cast %add3A_203 : i32 to index
      %get3A_205 = tpu.vector_load %arg7[%get3A_204] {strides = array<i32>} : memref<8192xi32, #tpu.memory_space<vmem>>, vector<16xi32>,
      %get3A_206 = vector.shape_cast %get3A_205 : vector<16xi32> to vector<16xi32>
      %broadcast_in_dim3A_207 = vector.shape_cast %get3A_206 : vector<16xi32> to vector<16x1xi32>
      %gather3A_208 = vector.shape_cast %broadcast_in_dim3A_207 : vector<16x1xi32> to vector<16xi32>
      %gather3A_209 = tpu.dynamic_gather %get3A_9[%gather3A_208] in [0] : vector<16xf32>, vector<16xi32> -> vector<16xf32>
      %swap3A_210 = arith.index_cast %add3A_203 : i32 to index
      %swap3A_211 = tpu.vector_load %arg9[%swap3A_210] {strides = array<i32>} : memref<8192xf32, #tpu.memory_space<vmem>>, vector<16xf32>,
      %swap3A_212 = vector.shape_cast %swap3A_211 : vector<16xf32> to vector<16xf32>
      %swap3A_213 = vector.shape_cast %gather3A_209 : vector<16xf32> to vector<16xf32>
      tpu.vector_store %arg9[%swap3A_210], %swap3A_213 {strides = array<i32>} : memref<8192xf32, #tpu.memory_space<vmem>>, vector<16xf32>,
      %add3A_214 = arith.constant 240 : i32
      %add3A_215 = arith.addi %mul3A_36, %add3A_214 : i32
      %get3A_216 = arith.index_cast %add3A_215 : i32 to index
      %get3A_217 = tpu.vector_load %arg7[%get3A_216] {strides = array<i32>} : memref<8192xi32, #tpu.memory_space<vmem>>, vector<16xi32>,
      %get3A_218 = vector.shape_cast %get3A_217 : vector<16xi32> to vector<16xi32>
      %broadcast_in_dim3A_219 = vector.shape_cast %get3A_218 : vector<16xi32> to vector<16x1xi32>
      %gather3A_220 = vector.shape_cast %broadcast_in_dim3A_219 : vector<16x1xi32> to vector<16xi32>
      %gather3A_221 = tpu.dynamic_gather %get3A_9[%gather3A_220] in [0] : vector<16xf32>, vector<16xi32> -> vector<16xf32>
      %swap3A_222 = arith.index_cast %add3A_215 : i32 to index
      %swap3A_223 = tpu.vector_load %arg9[%swap3A_222] {strides = array<i32>} : memref<8192xf32, #tpu.memory_space<vmem>>, vector<16xf32>,
      %swap3A_224 = vector.shape_cast %swap3A_223 : vector<16xf32> to vector<16xf32>
      %swap3A_225 = vector.shape_cast %gather3A_221 : vector<16xf32> to vector<16xf32>
      tpu.vector_store %arg9[%swap3A_222], %swap3A_225 {strides = array<i32>} : memref<8192xf32, #tpu.memory_space<vmem>>, vector<16xf32>,
    }
    %scan3A_25 = arith.constant 32 : i32
    %add3A_26 = arith.constant 8192 : i32
    %add3A_27 = arith.addi %mul3A_2, %add3A_26 : i32
    %dma_start3A_28 = tpu.memref_slice %arg4[%add3A_27] : memref<524288xf32, #tpu.memory_space<hbm>> -> memref<8192xf32, #tpu.memory_space<hbm>>
    %dma_start3A_29 = tpu.memref_slice %arg4[%add3A_27] : memref<524288xf32, #tpu.memory_space<hbm>> -> memref<8192xf32, #tpu.memory_space<hbm>>
    tpu.enqueue_dma source(%arg9 : memref<8192xf32, #tpu.memory_space<vmem>>) target(%dma_start3A_29 : memref<8192xf32, #tpu.memory_space<hbm>>) target_semaphore(%arg13 : memref<!tpu.dma_semaphore, #tpu.memory_space<semaphore_mem>>)
    %dma_wait3A_30 = tpu.memref_slice %arg4[%mul3A_2] : memref<524288xf32, #tpu.memory_space<hbm>> -> memref<8192xf32, #tpu.memory_space<hbm>>
    %dma_wait3A_31 = tpu.memref_slice %arg4[%mul3A_2] : memref<524288xf32, #tpu.memory_space<hbm>> -> memref<8192xf32, #tpu.memory_space<hbm>>
    tpu.wait_dma2 semaphore(%arg12 : memref<!tpu.dma_semaphore, #tpu.memory_space<semaphore_mem>>) src(%arg8 : memref<8192xf32, #tpu.memory_space<vmem>>) dst(%dma_wait3A_31 : memref<8192xf32, #tpu.memory_space<hbm>>)
    %dma_wait3A_32 = tpu.memref_slice %arg4[%add3A_27] : memref<524288xf32, #tpu.memory_space<hbm>> -> memref<8192xf32, #tpu.memory_space<hbm>>
    %dma_wait3A_33 = tpu.memref_slice %arg4[%add3A_27] : memref<524288xf32, #tpu.memory_space<hbm>> -> memref<8192xf32, #tpu.memory_space<hbm>>
    tpu.wait_dma2 semaphore(%arg13 : memref<!tpu.dma_semaphore, #tpu.memory_space<semaphore_mem>>) src(%arg9 : memref<8192xf32, #tpu.memory_space<vmem>>) dst(%dma_wait3A_33 : memref<8192xf32, #tpu.memory_space<hbm>>)
    return
  }
}

</mosaic_0001>

<sc_bundles>
// kernel: kernel.3.cloned.1.call-start
scs
__scs_entry_jumppad:
0x0: {  	(pc) =	sbr.rel $0x88, $3  }
0x1: {  	(tag) =	ssettag $0x0;
	lr =	simm.s32 $0x1  }
0x2: {  	[smem:$0x3F9F] =	sst lr;
	_ =	strace $0xD0000000  }
0x3: {  	_ = 	snop  }
0x4: {  	_ = 	snop  }
0x5: {  	_ = 	snop  }
0x6: {  	_ = 	snop  }
0x7: {  	_ = 	snop  }
__scs_overlays_trampoline_lowered:
0x8: {  	[smem:$0x3FAE] =	sst s0  }
0x9: {  	[smem:$0x3FAF] =	sst s1  }
0xa: {  	[smem:$0x3FB0] =	sst s2  }
0xb: {  	[smem:$0x3FB1] =	sst s3  }
0xc: {  	[smem:$0x3FB2] =	sst s4  }
0xd: {  	[smem:$0x3FB3] =	sst s5  }
0xe: {  	[smem:$0x3FB4] =	sst s6  }
0xf: {  	[smem:$0x3FB5] =	sst s7  }
0x10: {  	[smem:$0x3FB6] =	sst s8  }
0x11: {  	[smem:$0x3FB7] =	sst s9;
	s0 =	simm.s32 @!p0 $0x0  }
0x12: {  	s1 =	sld [smem:$0x3F9D];
	s0 =	simm.s32 @p0 $0x1  }
0x13: {  	[smem:$0x3FB8] =	sst s0;
	s0 =	simm.s32 @!p1 $0x0  }
0x14: {  	s2 =	sld [smem:$0x3F9C];
	s0 =	simm.s32 @p1 $0x1  }
0x15: {  	[smem:$0x3FB9] =	sst s0;
	s0 =	simm.s32 @!p2 $0x0  }
0x16: {  	s3 =	sld [smem:$0x3FDB];
	s0 =	simm.s32 @p2 $0x1  }
0x17: {  	s4 =	simm.s32 $0x1BF5;
	[smem:$0x3FBB] =	sst s0  }
0x18: {  	s0 =	sld [smem:$0x3F9E];
	_ =	swait.ge [sflag:s4], $0x0  }
0x19: {  	s7 =	sld [smem:$0x3F9F]  }
0x1a: {  	s8 =	sadd.s32 $0xFFFFE003, lr  }
0x1b: {  	s9 =	sadd.s32 $0xFFFFFEF7, lr;
	s5 =	simm.s32 $0xFFFFFFFF;
	p2 =	slt.u32 s8, $0xFFFFF086  }
0x1c: {  	p1 =	slt.u32 s9, $0xF7A;
	s5 =	simm.s32 @!p2 $0x0  }
0x1d: {  	s5 =	simm.s32 @p1 $0x1;
	p0 =	seq.s32 s7, s2  }
0x1e: {  	s7 =	smul.u32 @!p0 $0xF7A, s2;
	p2 =	seq.s32 @!p0 s5, $0x0  }
0x1f: {  	s9 =	smul.u32 $0xF7A, s1;
	s8 =	simm.s32 @!p0 $0x1BF5;
	p2 =	por !p2, p0  }
0x20: {  	[sflag:s8] =	ssyncset.s32 @!p0 $0xFFFFF086;
	s6 =	sadd.s32 @!p0 s3, s7;
	s7 =	simm.s32 @!p0 $0x108  }
0x21: {  	s3 =	sadd.s32 s3, s9;
	s6 =	sadd.s32 @!p0 $0x88, s6;
	s7 =	simm.s32 @p2 $0x1082  }
0x22: {  	[simem:s7], [sflag:s8] =	dma.local @!p0 [hbm:s6], $0xF7A  }
0x23: {  	s9 =	sor.u32 $0xD0000000, s2;
	s6 =	simm.s32 $0x108;
	_ =	swait.ge @!p0 [sflag:s8], $0x0  }
0x24: {  	s3 =	sadd.s32 $0x88, s3;
	s6 =	simm.s32 @!p1 $0x1082;
	[sflag:s4] =	ssyncset.s32 $0xFFFFF086  }
0x25: {  	[simem:s6], [sflag:s4] =	dma.local [hbm:s3], $0xF7A  }
0x26: {  	[smem:$0x3F9F] =	sst s1;
	(tag) =	ssettag s2;
	_ =	strace s9  }
0x27: {  	s1 =	sld [smem:$0x3FAF]  }
0x28: {  	s2 =	sld [smem:$0x3FB0]  }
0x29: {  	s4 =	sld [smem:$0x3FB2]  }
0x2a: {  	p0 =	seq.s32 s5, $0x0;
	s5 =	sld [smem:$0x3FB3]  }
0x2b: {  	s6 =	sld [smem:$0x3FB4]  }
0x2c: {  	s7 =	sld [smem:$0x3FB5]  }
0x2d: {  	s3 =	simm.s32 $0x108;
	s8 =	sld [smem:$0x3FB6]  }
0x2e: {  	s3 =	simm.s32 @!p0 $0x1082;
	s9 =	sld [smem:$0x3FB7]  }
0x2f: {  	lr =	sadd.s32 s0, s3;
	s0 =	sld [smem:$0x3FAE]  }
0x30: {  	s3 =	sld [smem:$0x3FB1]  }
0x31: {  	[smem:$0x3FBA] =	sst s10  }
0x32: {  	s10 =	sld [smem:$0x3FB8];
	_ =	sdelay $0x3  }
0x33: {  	p0 =	seq.s32 s10, $0x1;
	s10 =	sld [smem:$0x3FBA];
	_ =	sdelay $0x3  }
0x34: {  	[smem:$0x3FBA] =	sst s10  }
0x35: {  	s10 =	sld [smem:$0x3FB9];
	_ =	sdelay $0x3  }
0x36: {  	p1 =	seq.s32 s10, $0x1;
	s10 =	sld [smem:$0x3FBA];
	_ =	sdelay $0x3  }
0x37: {  	[smem:$0x3FBA] =	sst s10  }
0x38: {  	s10 =	sld [smem:$0x3FBB]  }
0x39: {  	_ = 	snop;
	(pc) =	sbr.ind lr, $3  }
0x3a: {  	_ = 	snop  }
0x3b: {  	_ = 	snop  }
0x3c: {  	p2 =	seq.s32 s10, $0x1;
	s10 =	sld [smem:$0x3FBA]  }
0x3d: {  	_ =	shalt  }
0x3e: {  	_ =	shalt  }
0x3f: {  	_ =	shalt  }
0x40: {  	_ =	shalt  }
0x41: {  	_ =	shalt  }
0x42: {  	_ =	shalt  }
0x43: {  	_ =	shalt  }
0x44: {  	_ =	shalt  }
0x45: {  	_ =	shalt  }
0x46: {  	_ =	shalt  }
0x47: {  	_ =	shalt  }
0x48: {  	_ =	shalt  }
0x49: {  	_ =	shalt  }
0x4a: {  	_ =	shalt  }
0x4b: {  	_ =	shalt  }
0x4c: {  	_ =	shalt  }
0x4d: {  	_ =	shalt  }
0x4e: {  	_ =	shalt  }
0x4f: {  	_ =	shalt  }
0x50: {  	_ =	shalt  }
0x51: {  	_ =	shalt  }
0x52: {  	_ =	shalt  }
0x53: {  	_ =	shalt  }
0x54: {  	_ =	shalt  }
0x55: {  	_ =	shalt  }
0x56: {  	_ =	shalt  }
0x57: {  	_ =	shalt  }
0x58: {  	_ =	shalt  }
0x59: {  	_ =	shalt  }
0x5a: {  	_ =	shalt  }
0x5b: {  	_ =	shalt  }
0x5c: {  	_ =	shalt  }
0x5d: {  	_ =	shalt  }
0x5e: {  	_ =	shalt  }
0x5f: {  	_ =	shalt  }
0x60: {  	_ =	shalt  }
0x61: {  	_ =	shalt  }
0x62: {  	_ =	shalt  }
0x63: {  	_ =	shalt  }
0x64: {  	_ =	shalt  }
0x65: {  	_ =	shalt  }
0x66: {  	_ =	shalt  }
0x67: {  	_ =	shalt  }
0x68: {  	_ =	shalt  }
0x69: {  	_ =	shalt  }
0x6a: {  	_ =	shalt  }
0x6b: {  	_ =	shalt  }
0x6c: {  	_ =	shalt  }
0x6d: {  	_ =	shalt  }
0x6e: {  	_ =	shalt  }
0x6f: {  	_ =	shalt  }
0x70: {  	_ =	shalt  }
0x71: {  	_ =	shalt  }
0x72: {  	_ =	shalt  }
0x73: {  	_ =	shalt  }
0x74: {  	_ =	shalt  }
0x75: {  	_ =	shalt  }
0x76: {  	_ =	shalt  }
0x77: {  	_ =	shalt  }
0x78: {  	_ =	shalt  }
0x79: {  	_ =	shalt  }
0x7a: {  	_ =	shalt  }
0x7b: {  	_ =	shalt  }
0x7c: {  	_ =	shalt  }
0x7d: {  	_ =	shalt  }
0x7e: {  	_ =	shalt  }
0x7f: {  	_ =	shalt  }
0x80: {  	_ =	shalt  }
0x81: {  	_ =	shalt  }
0x82: {  	_ =	shalt  }
0x83: {  	_ =	shalt  }
0x84: {  	_ =	shalt  }
0x85: {  	_ =	shalt  }
0x86: {  	_ =	shalt  }
0x87: {  	_ =	shalt  }
.Lfunc_end0:
.L_simem_size_0:
called_computation_lowered:
.L_overlay_start_0:
0x88: {  	s2 =	sld [smem:$0x3FD9]  }
0x89: {  	s3 =	sld [smem:$0x3FFE];
	_ =	sdelay $0x1  }
0x8a: {  	s1 =	srdreg.scid  }
0x8b: {  	s0 =	sand.u32 $0x1, s1  }
0x8c: {  	s18 =	sshll.u32 s0, $0xA;
	s2 =	sadd.s32 s3, s2  }
0x8d: {  	s2 =	sadd.s32 s2, s18  }
0x8e: {  	[smem:$0x3FC6] =	sst s2  }
0x8f: {  	_ = 	snop  }
0x90: {  	s2 =	sld [smem:$0x3FC9]  }
0x91: {  	s19 =	sld [smem:$0x3FC8]  }
0x92: {  	s4 =	sld [smem:$0x3FD0];
	(tm) =	ssettm $0x1  }
0x93: {  	s5 =	sld [smem:$0x3FFB];
	_ =	sdelay $0x3  }
0x94: {  	_ =	strace s5  }
0x95: {  	s5 =	sld [smem:$0x3FFC];
	_ =	sdelay $0x3  }
0x96: {  	_ =	strace s5  }
0x97: {  	s5 =	sld [smem:$0x3FFD];
	_ =	sdelay $0x3  }
0x98: {  	_ =	strace s5  }
0x99: {  	_ =	strace $0x8FFFFFFF  }
0x9a: {  	s20 =	sld [smem:$0x3FDB];
	_ =	sdelay $0x1  }
0x9b: {  	s6 =	simm.s32 $_scs_section_size  }
0x9c: {  	s7 =	simm.s32 $_size__tile_overlayer_lowered;
	s8 =	simm.s32 $_tile_overlayer_lowered  }
0x9d: {  	s23 =	simm.s32 $0x1BFF;
	s22 =	sshll.u32 s8, $0x1;
	s5 =	sadd.s32 s6, s20  }
0x9e: {  	s9 =	simm.s32 $0x0;
	s21 =	sshll.u32 s7, $0x1;
	s7 =	sadd.s32 s22, s5  }
0x9f: {  	[timem:s9], [sflag:s23] =	dma.local [hbm:s7], s21  }
0xa0: {  	_ =	swait.ge [sflag:s23], s21  }
0xa1: {  	s6 =	ssub.s32 $0x0, s21;
	[sflag:s23] =	ssyncset.done $0x0  }
0xa2: {  	[sflag:s23] =	ssyncadd.s32 s6;
	_ =	sdelay $0x1  }
0xa3: {  	s24 =	simm.s32 $0x1B8B  }
0xa4: {  	_ =	swait.ge [sflag:s24], $0x1  }
0xa5: {  	[sflag:s24] =	ssyncset.done $0x0  }
0xa6: {  	s25 =	simm.s32 $0x1B8E;
	[sflag:s24] =	ssyncadd.s32 $0xFFFFFFFF  }
0xa7: {  	s26 =	simm.s32 $execute0_lowered;
	[smem:$0x3FD2] =	sst s25  }
0xa8: {  	s6 =	sshll.u32 s26, $0x1;
	_ =	strace $0x80000046;
	[dreg:$0x1] =	wrdreg $0xFFFFFFFF  }
0xa9: {  	s28 =	simm.s32 $_size_execute0_lowered;
	s5 =	sadd.s32 s5, s6;
	[dreg:$0x0] =	wrdreg $0x0  }
0xaa: {  	s6 =	sshll.u32 s28, $0x1;
	[dreg:$0x2] =	wrdreg s5  }
0xab: {  	[dreg:$0x3] =	wrdreg s6  }
0xac: {  	[dreg:$0x4] =	wrdreg $0xC0  }
0xad: {  	_ =	task [dreg:s9], $0x5FFFF  }
0xae: {  	[dreg:$0x1] =	wrdreg $0xFFFFFFFF  }
0xaf: {  	[dreg:$0x0] =	wrdreg $0x60  }
0xb0: {  	[dreg:$0x2] =	wrdreg s19  }
0xb1: {  	[dreg:$0x3] =	wrdreg s2  }
0xb2: {  	[dreg:$0x4] =	wrdreg s4  }
0xb3: {  	[dreg:$0x5] =	wrdreg $0x9  }
0xb4: {  	_ =	task.clear_ibuf [dreg:s9], $0x6FFFF;
	_ =	strace $0x90000046  }
0xb5: {  	s29 =	simm.s32 $0x9;
	_ =	strace $0x80000048  }
0xb6: {  	_ =	swait.ge [sflag:s29], $0x1  }
0xb7: {  	[sflag:s29] =	ssyncadd.s32 $0xFFFFFFFF  }
0xb8: {  	_ =	strace $0x90000048  }
0xb9: {  	_ =	sfence  }
0xba: {  	s30 =	sld [smem:$0x0];
	_ =	sdelay $0x2  }
0xbb: {  	s31 =	sshll.u32 s1, $0xD;
	s1 =	sshrl.u32 s1, $0x2  }
0xbc: {  	s3 =	sand.u32 $0x4000, s31;
	s1 =	sadd.s32 s1, s30  }
0xbd: {  	s0 =	sor.u32 s3, s0;
	s1 =	sshll.u32 s1, $0x11  }
0xbe: {  	s0 =	sor.u32 s1, s0  }
0xbf: {  	s0 =	sadd.s32 $0x8F2B, s0  }
0xc0: {  	[sflag:s0] =	ssyncadd.remote.s32 $0x1  }
0xc1: {  	_ =	sfence.sel $0xFFFF  }
0xc2: {  	[dreg:$0x0] =	wrdreg $0xFFFFFFFF;
	(pc) =	sbr.abs _section_cstart, $3  }
0xc3: {  	[dreg:$0x1] =	wrdreg $0xFFFFFFFF  }
0xc4: {  	_ =	task.clear_ibuf [dreg:s9], $0x2FFFF;
	_ =	strace $0x9FFFFFFF  }
0xc5: {  	(tm) =	ssettm $0x7FFFFFFF  }
tec
execute0_lowered:
.L_overlay_start_1:
0x0: {  	(tag) =	ssettag $0x1  }
0x1: {  	s1 =	rddreg [dreg:$0x0]  }
0x2: {  	s5 =	rddreg [dreg:$0x1]  }
0x3: {  	s7 =	rddreg [dreg:$0x2]  }
0x4: {  	s0 =	rddreg [dreg:$0x3];
	s4 =	srdreg.scid  }
0x5: {  	s3 =	simm.s32 $0x0;
	s2 =	stileid.u32;
	s11 =	simm.s32 $0x5  }
0x6: {  	s12 =	simm.s32 $0x1;
	s13 =	simm.s32 $0x4080;
	s14 =	simm.s32 $0x2  }
0x7: {  	s15 =	simm.s32 $0x6080;
	s16 =	simm.s32 $0x3;
	s17 =	simm.s32 $0x4  }
0x8: {  	s18 =	simm.s32 $0x0;
	s4 =	sand.u32 $0x1, s4;
	s8 =	sshll.u32 s2, $0xC  }
0x9: {  	[smem:$0x7FF] =	sst s3;
	s6 =	ssub.s32 $0x2, s4;
	s4 =	sshll.u32 s4, $0xB  }
0xa: {  	_ =	strace $0x80000047;
	s9 =	sshrl.u32 s6, $0x1;
	s8 =	sor.u32 s4, s8  }
0xb: {  	s9 =	ssub.s32 s6, s9;
	s10 =	sor.u32 $0x400, s8;
	s4 =	sadd.s32 s5, s8  }
0xc: {  	s6 =	sadd.s32 s7, s8;
	s5 =	sadd.s32 s5, s10;
	s7 =	sadd.s32 s7, s10  }
0xd: {  	s8 =	smax.u32 s9, $0x1;
	s9 =	simm.s32 $0x80;
	s10 =	simm.s32 $0x2080  }
.LBB2_1:
0xe: {  	[tilespmem:s9], [sflag:$0x1] =	stream.linear.gather [hbm4b:s4+s3], $0x2000, $0x38;
	[tilespmem:$0x8080] =	vst v63  }
0xf: {  	_ = 	snop  }
0x10: {  	[tilespmem:s10], [sflag:$0x2] =	stream.linear.gather [hbm4b:s5+s3], $0x2000, $0x38;
	[tilespmem:$0x8080] =	vst v63  }
0x11: {  	_ = 	snop  }
0x12: {  	[tilespmem:s3], [sflag:$0x5] =	stream.linear.gather [hbm4b:s1+s3], $0x2, $0x38;
	[tilespmem:$0x8080] =	vst v63  }
0x13: {  	_ =	swait.ge [sflag:s11], $0x2  }
0x14: {  	[sflag:s11] =	ssyncset.done $0x0  }
0x15: {  	[sflag:s11] =	ssyncadd.s32 $0xFFFFFFFE  }
0x16: {  	v0 =	vld [tilespmem:$0x0];
	_ =	swait.ge [sflag:s12], $0x2000  }
0x17: {  	[sflag:s12] =	ssyncset.done $0x0  }
0x18: {  	s19 =	simm.s32 $0x0;
	[sflag:s12] =	ssyncadd.s32 $0xFFFFE000  }
0x19: {  	v1 =	vld [tilespmem:s19+$0x170]  }
0x1a: {  	v2 =	vld [tilespmem:s19+$0x80]  }
0x1b: {  	v3 =	vld [tilespmem:s19+$0x90]  }
0x1c: {  	v4 =	vld [tilespmem:s19+$0xA0]  }
0x1d: {  	v7 =	vld [tilespmem:s19+$0xD0]  }
0x1e: {  	v5 =	vld [tilespmem:s19+$0xB0];
	v1 =	vperm.xlane v0, v1  }
0x1f: {  	v6 =	vld [tilespmem:s19+$0xC0];
	v2 =	vperm.xlane v0, v2  }
0x20: {  	v8 =	vld [tilespmem:s19+$0xE0];
	[tilespmem:s19+$0x4170] =	vst v1;
	v1 =	vperm.xlane v0, v3  }
0x21: {  	v9 =	vld [tilespmem:s19+$0xF0];
	[tilespmem:s19+$0x4080] =	vst v2;
	v2 =	vperm.xlane v0, v4  }
0x22: {  	v3 =	vperm.xlane v0, v7;
	[tilespmem:s19+$0x4090] =	vst v1  }
0x23: {  	v10 =	vld [tilespmem:s19+$0x100];
	v1 =	vperm.xlane v0, v5;
	[tilespmem:s19+$0x40A0] =	vst v2  }
0x24: {  	v5 =	vld [tilespmem:s19+$0x110];
	v2 =	vperm.xlane v0, v6;
	[tilespmem:s19+$0x40D0] =	vst v3  }
0x25: {  	v4 =	vperm.xlane v0, v8;
	[tilespmem:s19+$0x40B0] =	vst v1;
	v1 =	vld [tilespmem:s19+$0x120]  }
0x26: {  	v6 =	vperm.xlane v0, v9;
	[tilespmem:s19+$0x40C0] =	vst v2;
	v2 =	vld [tilespmem:s19+$0x130]  }
0x27: {  	v3 =	vld [tilespmem:s19+$0x140];
	[tilespmem:s19+$0x40E0] =	vst v4  }
0x28: {  	v4 =	vld [tilespmem:s19+$0x150];
	[tilespmem:s19+$0x40F0] =	vst v6;
	v6 =	vperm.xlane v0, v10  }
0x29: {  	s20 =	simm.s32 $0x100;
	s21 =	simm.s32 $0x800;
	v7 =	vperm.xlane v0, v5;
	v5 =	vld [tilespmem:s19+$0x160]  }
.LBB2_2:
0x2a: {  	p0 =	sne.s32 s21, $0x7C00;
	v8 =	vld [tilespmem:s20+$0x170];
	[tilespmem:s19+$0x4100] =	vst v6;
	v1 =	vperm.xlane v0, v1  }
0x2b: {  	v6 =	vld [tilespmem:s20+$0x80];
	[tilespmem:s19+$0x4110] =	vst v7;
	v2 =	vperm.xlane v0, v2  }
0x2c: {  	v7 =	vld [tilespmem:s20+$0x90];
	[tilespmem:s19+$0x4120] =	vst v1;
	v1 =	vperm.xlane v0, v3  }
0x2d: {  	v3 =	vld [tilespmem:s20+$0xA0];
	[tilespmem:s19+$0x4130] =	vst v2;
	v2 =	vperm.xlane v0, v4  }
0x2e: {  	v4 =	vld [tilespmem:s20+$0xB0];
	[tilespmem:s19+$0x4140] =	vst v1;
	v1 =	vperm.xlane v0, v5  }
0x2f: {  	v5 =	vld [tilespmem:s20+$0xC0];
	v8 =	vperm.xlane v0, v8;
	[tilespmem:s19+$0x4150] =	vst v2  }
0x30: {  	v2 =	vperm.xlane v0, v6;
	v6 =	vld [tilespmem:s20+$0xD0];
	[tilespmem:s19+$0x4160] =	vst v1;
	s19 =	smov.u32 s20  }
0x31: {  	v1 =	vperm.xlane v0, v7;
	v7 =	vld [tilespmem:s19+$0xE0];
	[tilespmem:s19+$0x4170] =	vst v8  }
0x32: {  	[tilespmem:s19+$0x4080] =	vst v2;
	v2 =	vperm.xlane v0, v3;
	v3 =	vld [tilespmem:s19+$0xF0]  }
0x33: {  	[tilespmem:s19+$0x4090] =	vst v1;
	v1 =	vperm.xlane v0, v4;
	v4 =	vld [tilespmem:s19+$0x100]  }
0x34: {  	[tilespmem:s19+$0x40A0] =	vst v2;
	v2 =	vperm.xlane v0, v5;
	v5 =	vld [tilespmem:s19+$0x110]  }
.Ltmp0:
0x35: {  	[tilespmem:s19+$0x40B0] =	vst v1;
	v6 =	vperm.xlane v0, v6;
	v1 =	vld [tilespmem:s19+$0x120];
	(pc) =	sbr.rel @p0 .LBB2_2-.Ltmp0, $4  }
0x36: {  	[tilespmem:s19+$0x40C0] =	vst v2;
	v7 =	vperm.xlane v0, v7;
	v2 =	vld [tilespmem:s19+$0x130]  }
0x37: {  	[tilespmem:s19+$0x40D0] =	vst v6;
	v8 =	vperm.xlane v0, v3;
	v3 =	vld [tilespmem:s19+$0x140]  }
0x38: {  	[tilespmem:s19+$0x40E0] =	vst v7;
	v6 =	vperm.xlane v0, v4;
	v4 =	vld [tilespmem:s19+$0x150]  }
0x39: {  	s20 =	sshra.s32 s21, $0x2;
	s21 =	sadd.s32 $0x400, s21;
	[tilespmem:s19+$0x40F0] =	vst v8;
	v7 =	vperm.xlane v0, v5;
	v5 =	vld [tilespmem:s19+$0x160]  }
0x3a: {  	v8 =	vld [tilespmem:s20+$0x170];
	[tilespmem:s19+$0x4100] =	vst v6;
	v1 =	vperm.xlane v0, v1  }
0x3b: {  	v6 =	vld [tilespmem:s20+$0x80];
	[tilespmem:s19+$0x4110] =	vst v7;
	v2 =	vperm.xlane v0, v2  }
0x3c: {  	v7 =	vld [tilespmem:s20+$0x90];
	[tilespmem:s19+$0x4120] =	vst v1;
	v3 =	vperm.xlane v0, v3  }
0x3d: {  	v1 =	vld [tilespmem:s20+$0xA0];
	[tilespmem:s19+$0x4130] =	vst v2;
	v4 =	vperm.xlane v0, v4  }
0x3e: {  	v2 =	vld [tilespmem:s20+$0xB0];
	[tilespmem:s19+$0x4140] =	vst v3;
	v5 =	vperm.xlane v0, v5  }
0x3f: {  	v3 =	vld [tilespmem:s20+$0xC0];
	[tilespmem:s19+$0x4150] =	vst v4;
	v8 =	vperm.xlane v0, v8  }
0x40: {  	v4 =	vld [tilespmem:s20+$0xD0];
	[tilespmem:s19+$0x4160] =	vst v5;
	v5 =	vperm.xlane v0, v6  }
0x41: {  	v6 =	vld [tilespmem:s20+$0xE0];
	[tilespmem:s20+$0x4170] =	vst v8;
	v7 =	vperm.xlane v0, v7  }
0x42: {  	[tilespmem:s20+$0x4080] =	vst v5;
	v5 =	vld [tilespmem:s20+$0xF0];
	v1 =	vperm.xlane v0, v1  }
0x43: {  	[tilespmem:s20+$0x4090] =	vst v7;
	v7 =	vld [tilespmem:s20+$0x100];
	v2 =	vperm.xlane v0, v2  }
0x44: {  	[tilespmem:s20+$0x40A0] =	vst v1;
	v1 =	vld [tilespmem:s20+$0x110];
	v3 =	vperm.xlane v0, v3  }
0x45: {  	[tilespmem:s20+$0x40B0] =	vst v2;
	v2 =	vld [tilespmem:s20+$0x120];
	v4 =	vperm.xlane v0, v4  }
0x46: {  	[tilespmem:s20+$0x40C0] =	vst v3;
	v3 =	vld [tilespmem:s20+$0x130];
	v6 =	vperm.xlane v0, v6  }
0x47: {  	[tilespmem:s20+$0x40D0] =	vst v4;
	v4 =	vld [tilespmem:s20+$0x140];
	v5 =	vperm.xlane v0, v5  }
0x48: {  	[tilespmem:s20+$0x40E0] =	vst v6;
	v6 =	vld [tilespmem:s20+$0x150];
	v7 =	vperm.xlane v0, v7  }
0x49: {  	[tilespmem:s20+$0x40F0] =	vst v5;
	v1 =	vperm.xlane v0, v1;
	v5 =	vld [tilespmem:s20+$0x160]  }
0x4a: {  	[tilespmem:s20+$0x4100] =	vst v7;
	v2 =	vperm.xlane v0, v2  }
0x4b: {  	[tilespmem:s20+$0x4110] =	vst v1;
	v1 =	vperm.xlane v0, v3  }
0x4c: {  	[tilespmem:s20+$0x4120] =	vst v2;
	v2 =	vperm.xlane v0, v4  }
0x4d: {  	[tilespmem:s20+$0x4130] =	vst v1;
	v1 =	vperm.xlane v0, v6  }
0x4e: {  	[tilespmem:s20+$0x4140] =	vst v2;
	v2 =	vperm.xlane v0, v5  }
0x4f: {  	[tilespmem:s20+$0x4150] =	vst v1  }
0x50: {  	s31 =	simm.s32 $0x0;
	[tilespmem:s20+$0x4160] =	vst v2  }
0x51: {  	[hbm4b:s6+s31] =	stream.linear.scatter [tilespmem:s13], [sflag:$0x3], $0x2000, $0x38;
	[tilespmem:$0x8080] =	vst v63  }
0x52: {  	_ =	swait.ge [sflag:s14], $0x2000  }
0x53: {  	[sflag:s14] =	ssyncset.done $0x0  }
0x54: {  	s19 =	simm.s32 $0x0;
	[sflag:s14] =	ssyncadd.s32 $0xFFFFE000  }
0x55: {  	v1 =	vld [tilespmem:s19+$0x2170]  }
0x56: {  	v2 =	vld [tilespmem:s19+$0x2080]  }
0x57: {  	v3 =	vld [tilespmem:s19+$0x2090]  }
0x58: {  	v4 =	vld [tilespmem:s19+$0x20A0]  }
0x59: {  	v7 =	vld [tilespmem:s19+$0x20D0]  }
0x5a: {  	v5 =	vld [tilespmem:s19+$0x20B0];
	v1 =	vperm.xlane v0, v1  }
0x5b: {  	v6 =	vld [tilespmem:s19+$0x20C0];
	v2 =	vperm.xlane v0, v2  }
0x5c: {  	v8 =	vld [tilespmem:s19+$0x20E0];
	[tilespmem:s19+$0x6170] =	vst v1;
	v1 =	vperm.xlane v0, v3  }
0x5d: {  	v9 =	vld [tilespmem:s19+$0x20F0];
	[tilespmem:s19+$0x6080] =	vst v2;
	v2 =	vperm.xlane v0, v4  }
0x5e: {  	v3 =	vperm.xlane v0, v7;
	[tilespmem:s19+$0x6090] =	vst v1  }
0x5f: {  	v10 =	vld [tilespmem:s19+$0x2100];
	v1 =	vperm.xlane v0, v5;
	[tilespmem:s19+$0x60A0] =	vst v2  }
0x60: {  	v5 =	vld [tilespmem:s19+$0x2110];
	v2 =	vperm.xlane v0, v6;
	[tilespmem:s19+$0x60D0] =	vst v3  }
0x61: {  	v4 =	vperm.xlane v0, v8;
	[tilespmem:s19+$0x60B0] =	vst v1;
	v1 =	vld [tilespmem:s19+$0x2120]  }
0x62: {  	v6 =	vperm.xlane v0, v9;
	[tilespmem:s19+$0x60C0] =	vst v2;
	v2 =	vld [tilespmem:s19+$0x2130]  }
0x63: {  	v3 =	vld [tilespmem:s19+$0x2140];
	[tilespmem:s19+$0x60E0] =	vst v4  }
0x64: {  	v4 =	vld [tilespmem:s19+$0x2150];
	[tilespmem:s19+$0x60F0] =	vst v6;
	v6 =	vperm.xlane v0, v10  }
0x65: {  	s21 =	simm.s32 $0x800;
	s20 =	simm.s32 $0x100;
	v7 =	vperm.xlane v0, v5;
	v5 =	vld [tilespmem:s19+$0x2160]  }
.LBB2_4:
0x66: {  	p0 =	sne.s32 s21, $0x7C00;
	v8 =	vld [tilespmem:s20+$0x2170];
	[tilespmem:s19+$0x6100] =	vst v6;
	v1 =	vperm.xlane v0, v1  }
0x67: {  	v6 =	vld [tilespmem:s20+$0x2080];
	[tilespmem:s19+$0x6110] =	vst v7;
	v2 =	vperm.xlane v0, v2  }
0x68: {  	v7 =	vld [tilespmem:s20+$0x2090];
	[tilespmem:s19+$0x6120] =	vst v1;
	v1 =	vperm.xlane v0, v3  }
0x69: {  	v3 =	vld [tilespmem:s20+$0x20A0];
	[tilespmem:s19+$0x6130] =	vst v2;
	v2 =	vperm.xlane v0, v4  }
0x6a: {  	v4 =	vld [tilespmem:s20+$0x20B0];
	[tilespmem:s19+$0x6140] =	vst v1;
	v1 =	vperm.xlane v0, v5  }
0x6b: {  	v5 =	vld [tilespmem:s20+$0x20C0];
	v8 =	vperm.xlane v0, v8;
	[tilespmem:s19+$0x6150] =	vst v2  }
0x6c: {  	v2 =	vperm.xlane v0, v6;
	v6 =	vld [tilespmem:s20+$0x20D0];
	[tilespmem:s19+$0x6160] =	vst v1;
	s19 =	smov.u32 s20  }
0x6d: {  	v1 =	vperm.xlane v0, v7;
	v7 =	vld [tilespmem:s19+$0x20E0];
	[tilespmem:s19+$0x6170] =	vst v8  }
0x6e: {  	[tilespmem:s19+$0x6080] =	vst v2;
	v2 =	vperm.xlane v0, v3;
	v3 =	vld [tilespmem:s19+$0x20F0]  }
0x6f: {  	[tilespmem:s19+$0x6090] =	vst v1;
	v1 =	vperm.xlane v0, v4;
	v4 =	vld [tilespmem:s19+$0x2100]  }
0x70: {  	[tilespmem:s19+$0x60A0] =	vst v2;
	v2 =	vperm.xlane v0, v5;
	v5 =	vld [tilespmem:s19+$0x2110]  }
.Ltmp1:
0x71: {  	[tilespmem:s19+$0x60B0] =	vst v1;
	v6 =	vperm.xlane v0, v6;
	v1 =	vld [tilespmem:s19+$0x2120];
	(pc) =	sbr.rel @p0 .LBB2_4-.Ltmp1, $4  }
0x72: {  	[tilespmem:s19+$0x60C0] =	vst v2;
	v7 =	vperm.xlane v0, v7;
	v2 =	vld [tilespmem:s19+$0x2130]  }
0x73: {  	[tilespmem:s19+$0x60D0] =	vst v6;
	v8 =	vperm.xlane v0, v3;
	v3 =	vld [tilespmem:s19+$0x2140]  }
0x74: {  	[tilespmem:s19+$0x60E0] =	vst v7;
	v6 =	vperm.xlane v0, v4;
	v4 =	vld [tilespmem:s19+$0x2150]  }
0x75: {  	s20 =	sshra.s32 s21, $0x2;
	s21 =	sadd.s32 $0x400, s21;
	[tilespmem:s19+$0x60F0] =	vst v8;
	v7 =	vperm.xlane v0, v5;
	v5 =	vld [tilespmem:s19+$0x2160]  }
0x76: {  	v8 =	vld [tilespmem:s20+$0x2170];
	[tilespmem:s19+$0x6100] =	vst v6;
	v1 =	vperm.xlane v0, v1  }
0x77: {  	v6 =	vld [tilespmem:s20+$0x2080];
	[tilespmem:s19+$0x6110] =	vst v7;
	v2 =	vperm.xlane v0, v2  }
0x78: {  	v7 =	vld [tilespmem:s20+$0x2090];
	[tilespmem:s19+$0x6120] =	vst v1;
	v3 =	vperm.xlane v0, v3  }
0x79: {  	v1 =	vld [tilespmem:s20+$0x20A0];
	[tilespmem:s19+$0x6130] =	vst v2;
	v4 =	vperm.xlane v0, v4  }
0x7a: {  	v2 =	vld [tilespmem:s20+$0x20B0];
	[tilespmem:s19+$0x6140] =	vst v3;
	v5 =	vperm.xlane v0, v5  }
0x7b: {  	v3 =	vld [tilespmem:s20+$0x20C0];
	[tilespmem:s19+$0x6150] =	vst v4;
	v8 =	vperm.xlane v0, v8  }
0x7c: {  	v4 =	vld [tilespmem:s20+$0x20D0];
	[tilespmem:s19+$0x6160] =	vst v5;
	v50 =	vperm.xlane v0, v6  }
0x7d: {  	v51 =	vld [tilespmem:s20+$0x20E0];
	[tilespmem:s20+$0x6170] =	vst v8;
	v7 =	vperm.xlane v0, v7  }
0x7e: {  	v52 =	vld [tilespmem:s20+$0x20F0];
	[tilespmem:s20+$0x6080] =	vst v50;
	v1 =	vperm.xlane v0, v1  }
0x7f: {  	v53 =	vld [tilespmem:s20+$0x2100];
	[tilespmem:s20+$0x6090] =	vst v7;
	v2 =	vperm.xlane v0, v2  }
0x80: {  	v54 =	vld [tilespmem:s20+$0x2110];
	[tilespmem:s20+$0x60A0] =	vst v1;
	v3 =	vperm.xlane v0, v3  }
0x81: {  	v55 =	vld [tilespmem:s20+$0x2120];
	[tilespmem:s20+$0x60B0] =	vst v2;
	v4 =	vperm.xlane v0, v4  }
0x82: {  	v56 =	vld [tilespmem:s20+$0x2130];
	[tilespmem:s20+$0x60C0] =	vst v3;
	v6 =	vperm.xlane v0, v51  }
0x83: {  	v57 =	vld [tilespmem:s20+$0x2140];
	v5 =	vperm.xlane v0, v52;
	[tilespmem:s20+$0x60D0] =	vst v4  }
0x84: {  	v58 =	vld [tilespmem:s20+$0x2150];
	v7 =	vperm.xlane v0, v53;
	[tilespmem:s20+$0x60E0] =	vst v6  }
0x85: {  	v59 =	vld [tilespmem:s20+$0x2160];
	v1 =	vperm.xlane v0, v54;
	[tilespmem:s20+$0x60F0] =	vst v5  }
0x86: {  	v2 =	vperm.xlane v0, v55;
	[tilespmem:s20+$0x6100] =	vst v7  }
0x87: {  	v60 =	vperm.xlane v0, v56;
	[tilespmem:s20+$0x6110] =	vst v1  }
0x88: {  	v61 =	vperm.xlane v0, v57;
	[tilespmem:s20+$0x6120] =	vst v2  }
0x89: {  	v62 =	vperm.xlane v0, v58;
	[tilespmem:s20+$0x6130] =	vst v60  }
0x8a: {  	v63 =	vperm.xlane v0, v59;
	[tilespmem:s20+$0x6140] =	vst v61  }
0x8b: {  	[tilespmem:s20+$0x6150] =	vst v62  }
0x8c: {  	s18 =	sadd.s32 $0x1, s18;
	[tilespmem:s20+$0x6160] =	vst v63  }
0x8d: {  	[hbm4b:s7+s3] =	stream.linear.scatter [tilespmem:s15], [sflag:$0x4], $0x2000, $0x38;
	[tilespmem:$0x8080] =	vst v63  }
0x8e: {  	p0 =	sne.s32 s18, s8;
	_ =	swait.ge [sflag:s16], $0x2000  }
.Ltmp2:
0x8f: {  	[sflag:s16] =	ssyncset.done $0x0;
	(pc) =	sbr.rel @p0 .LBB2_1-.Ltmp2, $4  }
0x90: {  	[sflag:s16] =	ssyncadd.s32 $0xFFFFE000  }
0x91: {  	_ =	swait.ge [sflag:s17], $0x2000  }
0x92: {  	[sflag:s17] =	ssyncset.done $0x0  }
0x93: {  	[sflag:s17] =	ssyncadd.s32 $0xFFFFE000  }
0x94: {  	_ =	sfence.sel $0x180000  }
0x95: {  	[bflag:$0x0] =	sbarrier.arrive $0xFFFF  }
0x96: {  	p0 =	sne.s32 s2, $0x0;
	_ =	strace $0x90000047  }
0x97: {  	s0 =	sadd.s32 @!p0 $0x100000, s0;
	[bflag:$0x2] =	sbarrier.arrive $0xFFFF  }
0x98: {  	[sflag:s0] =	ssyncadd.tile.s32 @!p0 $0x1;
	_ =	shalt  }
.Lfunc_end2:
_tile_overlayer_lowered:
.L_overlay_start_2:
0x99: {  	(tag) =	ssettag $0x2  }
0x9a: {  	s0 =	rddreg [dreg:$0x0];
	s2 =	stileid.u32  }
0x9b: {  	s1 =	rddreg [dreg:$0x1];
	p0 =	sne.s32 s2, $0x0  }
0x9c: {  	s3 =	rddreg [dreg:$0x2];
	[bflag:$0x3] =	sbarrier.arrive $0xFFFF;
	s2 =	simm.s32 @!p0 $0x1C05  }
0x9d: {  	[timem:s3], [sflag:s2] =	dma.local @!p0 [hbm:s0], s1  }
0x9e: {  	s0 =	simm.s32 @!p0 $0x5  }
0x9f: {  	_ =	swait.ge @!p0 [sflag:s0], s1  }
0xa0: {  	s1 =	ssub.s32 @!p0 $0x0, s1;
	[sflag:s0] =	ssyncset.done @!p0 $0x0  }
0xa1: {  	[sflag:s0] =	ssyncadd.s32 @!p0 s1  }
0xa2: {  	[bflag:$0x3] =	sbarrier.arrive $0xFFFF  }
0xa3: {  	_ =	shalt  }

</sc_bundles>
